<compile_context>
chip_gen: v7x
topology: tpu7x:2x2x1
jax: 0.10.2.dev20260603
libtpu: 0.0.44.dev20260713+nightly
codegen_flags: <defaults>
</compile_context>

<pallas_src>
import functools

import jax
import jax.numpy as jnp
from jax import lax
from jax.experimental import pallas as pl
from jax.experimental.pallas import tpu as pltpu
from jax.experimental.pallas import tpu_sc as plsc

_THETA = 0.25
_L = 16
_NC = 2
_NS = 16
_NT = 5
_NW = _NC * _NS


def _row0_body(pair_ref, out_ref):
    out_ref[...] = pair_ref[0]


def _extract_row0(edgeij_pair):
    E = edgeij_pair.shape[1]
    return pl.pallas_call(
        _row0_body,
        out_shape=jax.ShapeDtypeStruct((E,), edgeij_pair.dtype),
    )(edgeij_pair)


@functools.partial(jax.jit, static_argnums=(2,))
def _segmin_edge_update(pair, edge_attr, n_nodes):
    row = _extract_row0(pair)
    E = pair.shape[1]
    grain = _L * _NT * _NW
    e1 = ((E // 2) // grain) * grain + grain
    e2 = E - e1
    assert e2 % grain == 0
    ept1 = e1 // _NW
    ept2 = e2 // _NW
    npad = ((n_nodes + _L * _NS - 1) // (_L * _NS)) * (_L * _NS)
    chunk = npad // _NS

    a1 = edge_attr[:e1, 0]
    a2 = edge_attr[e1:, 0]

    mesh = plsc.VectorSubcoreMesh(core_axis_name="c", subcore_axis_name="s")
    cparams = pltpu.CompilerParams(needs_layout_passes=False)

    @functools.partial(
        pl.kernel,
        out_type=jax.ShapeDtypeStruct((_NC * npad,), jnp.float32),
        mesh=mesh,
        compiler_params=cparams,
        scratch_types=[
            pltpu.VMEM((ept1 + ept2,), jnp.int32),
            pltpu.VMEM((ept1 + ept2,), jnp.float32),
            [pltpu.VMEM((npad,), jnp.float32) for _ in range(_NT)],
            pltpu.VMEM((npad,), jnp.float32),
            pltpu.VMEM_SHARED((_NS, npad), jnp.float32),
            pltpu.SemaphoreType.DMA,
            pltpu.SemaphoreType.DMA,
        ],
    )
    def k1(row_hbm, a1_hbm, a2_hbm, tab_hbm, row_v, a_v, tabs, tabm,
           sp_tab, sem1, sem2):
        cid = lax.axis_index("c")
        sid = lax.axis_index("s")
        wid = cid * _NS + sid

        cps = [
            pltpu.async_copy(row_hbm.at[pl.ds(wid * ept1, ept1)],
                             row_v.at[pl.ds(0, ept1)], sem1),
            pltpu.async_copy(row_hbm.at[pl.ds(e1 + wid * ept2, ept2)],
                             row_v.at[pl.ds(ept1, ept2)], sem1),
            pltpu.async_copy(a1_hbm.at[pl.ds(wid * ept1, ept1)],
                             a_v.at[pl.ds(0, ept1)], sem2),
            pltpu.async_copy(a2_hbm.at[pl.ds(wid * ept2, ept2)],
                             a_v.at[pl.ds(ept1, ept2)], sem2),
        ]

        inf16 = jnp.full((_L,), jnp.inf, jnp.float32)

        def init_body(i, c):
            for t in tabs:
                t[pl.ds(i * _L, _L)] = inf16
            return c
        lax.fori_loop(0, npad // _L, init_body, 0)
        for cp in cps:
            cp.wait()

        trips = (ept1 + ept2) // (_L * _NT)

        def p1_body(i, c):
            b = i * _NT * _L
            idxs = [row_v[pl.ds(b + u * _L, _L)] for u in range(_NT)]
            avs = [a_v[pl.ds(b + u * _L, _L)] for u in range(_NT)]
            curs = [plsc.load_gather(tabs[u], [idxs[u]])
                    for u in range(_NT)]
            losts = [avs[u] < curs[u] for u in range(_NT)]
            for u in range(_NT):
                plsc.store_scatter(tabs[u], [idxs[u]], avs[u],
                                   mask=losts[u])
            chks = [plsc.load_gather(tabs[u], [idxs[u]])
                    for u in range(_NT)]
            fails = [avs[u] < chks[u] for u in range(_NT)]
            anyfail = fails[0]
            for f in fails[1:]:
                anyfail = anyfail | f

            @pl.when(jnp.any(anyfail))
            def _fix():
                for u in range(_NT):
                    def wcond(m):
                        return jnp.any(m)

                    def wbody(m, u=u):
                        plsc.store_scatter(tabs[u], [idxs[u]], avs[u],
                                           mask=m)
                        chk2 = plsc.load_gather(tabs[u], [idxs[u]])
                        return m & (avs[u] < chk2)
                    lax.while_loop(wcond, wbody, fails[u])
            return c
        lax.fori_loop(0, trips, p1_body, 0)

        def merge_body(j, c):
            jo = j * _L
            m0 = tabs[0][pl.ds(jo, _L)]
            for t in tabs[1:]:
                m0 = jnp.minimum(m0, t[pl.ds(jo, _L)])
            tabm[pl.ds(jo, _L)] = m0
            return c
        lax.fori_loop(0, npad // _L, merge_body, 0)

        pltpu.sync_copy(tabm, sp_tab.at[sid])
        plsc.subcore_barrier()

        cb = sid * chunk
        stage = tabs[0]
        descs = [pltpu.async_copy(sp_tab.at[r, pl.ds(cb, chunk)],
                                  stage.at[pl.ds(r * chunk, chunk)], sem1)
                 for r in range(_NS)]
        for d in descs:
            d.wait()

        res = tabs[1]

        def red_body(j, c):
            jo = j * _L
            m0 = stage[pl.ds(jo, _L)]
            for r in range(1, _NS):
                m0 = jnp.minimum(m0, stage[pl.ds(r * chunk + jo, _L)])
            res[pl.ds(cb + jo, _L)] = m0
            return c
        lax.fori_loop(0, chunk // _L, red_body, 0)

        pltpu.sync_copy(res.at[pl.ds(cb, chunk)],
                        tab_hbm.at[pl.ds(cid * npad + cb, chunk)])

    @functools.partial(
        pl.kernel,
        out_type=jax.ShapeDtypeStruct((E,), jnp.float32),
        mesh=mesh,
        compiler_params=cparams,
        scratch_types=[
            [pltpu.VMEM((npad,), jnp.float32) for _ in range(_NC)],
            pltpu.VMEM((ept1 + ept2,), jnp.int32),
            pltpu.VMEM((ept1 + ept2,), jnp.float32),
            pltpu.VMEM((ept1 + ept2,), jnp.float32),
            pltpu.SemaphoreType.DMA,
            pltpu.SemaphoreType.DMA,
        ],
    )
    def k2(tab_hbm, row_hbm, a1_hbm, a2_hbm, out_hbm, halves, row_v,
           a_v, w_v, sem1, sem2):
        cid = lax.axis_index("c")
        sid = lax.axis_index("s")
        wid = cid * _NS + sid

        cp_tabs = [pltpu.async_copy(tab_hbm.at[pl.ds(h * npad, npad)],
                                    halves[h], sem1) for h in range(_NC)]
        cps = [
            pltpu.async_copy(row_hbm.at[pl.ds(wid * ept1, ept1)],
                             row_v.at[pl.ds(0, ept1)], sem2),
            pltpu.async_copy(row_hbm.at[pl.ds(e1 + wid * ept2, ept2)],
                             row_v.at[pl.ds(ept1, ept2)], sem2),
            pltpu.async_copy(a1_hbm.at[pl.ds(wid * ept1, ept1)],
                             a_v.at[pl.ds(0, ept1)], sem2),
            pltpu.async_copy(a2_hbm.at[pl.ds(wid * ept2, ept2)],
                             a_v.at[pl.ds(ept1, ept2)], sem2),
        ]
        for cp in cp_tabs:
            cp.wait()
        for cp in cps:
            cp.wait()

        def p2_body(j, c):
            b = j * _NT * _L
            idxs = [row_v[pl.ds(b + u * _L, _L)] for u in range(_NT)]
            avs = [a_v[pl.ds(b + u * _L, _L)] for u in range(_NT)]
            m0s = [plsc.load_gather(halves[0], [idxs[u]])
                   for u in range(_NT)]
            m1s = [plsc.load_gather(halves[1], [idxs[u]])
                   for u in range(_NT)]
            for u in range(_NT):
                m = jnp.minimum(m0s[u], m1s[u])
                w_v[pl.ds(b + u * _L, _L)] = jnp.maximum(
                    avs[u] / m - _THETA, 0.0)
            return c
        lax.fori_loop(0, (ept1 + ept2) // (_L * _NT), p2_body, 0)

        pltpu.sync_copy(w_v.at[pl.ds(0, ept1)],
                        out_hbm.at[pl.ds(wid * ept1, ept1)])
        pltpu.sync_copy(w_v.at[pl.ds(ept1, ept2)],
                        out_hbm.at[pl.ds(e1 + wid * ept2, ept2)])

    tab2 = k1(row, a1, a2)
    return k2(tab2, row, a1, a2)


def kernel(vertex_attr, edgeij_pair, edge_attr):
    return _segmin_edge_update(edgeij_pair, edge_attr, vertex_attr.shape[0])

# --- scband reference (transcript-rebuilt; emitter-appended) ---
"""Pipeline reference for scband-socclassic-gnn-91096256348949 (READ-ONLY COPY).

The authoritative reference and input builder live on the scoring server;
editing this copy changes nothing except your own understanding.
"""

import jax, jax.numpy as jnp
import numpy as np

THETA = 0.25
N_NODES = 10000
N_EDGES = 320000
D_FEAT = 128
D_EDGE = 4


def setup_inputs(seed: int = 0) -> dict:
    key = jax.random.key(seed)
    k1, k2, k3 = jax.random.split(key, 3)
    vertex_attr = jax.random.normal(k1, (N_NODES, D_FEAT), dtype=jnp.float32)
    edgeij_pair = jax.random.randint(k2, (2, N_EDGES), 0, N_NODES, dtype=jnp.int32)
    edge_attr = jax.random.normal(k3, (N_EDGES, D_EDGE), dtype=jnp.float32)
    return {"vertex_attr": vertex_attr, "edgeij_pair": edgeij_pair, "edge_attr": edge_attr}


def reference(vertex_attr, edgeij_pair, edge_attr):
    # Layer 1: MetaLayer(None, VertexUpdate(edge_to_vertex_aggregation))
    # vertex update: cbar_i = max over edges with dst i of (-A_ij)
    n_vertices = vertex_attr.shape[0]
    A_ij_flat = edge_attr[:, 0]
    cbar_i = jax.ops.segment_max(-1.0 * A_ij_flat, edgeij_pair[0], num_segments=n_vertices)
    new_vertex_attr = cbar_i.reshape((-1, 1))  # [N, 1]

    # Layer 2: MetaLayer(EdgeUpdate(theta))
    # edge model is called with vattr_i = x[row], vattr_j = x[col], row = edge_index[0]
    row = edgeij_pair[0]
    vattr_i = jnp.take(new_vertex_attr, row, axis=0)  # [E, 1]
    v_i = vattr_i[:, 0].reshape(-1, 1)
    A_ij = edge_attr[:, 0].reshape(-1, 1)
    S_ij = jax.nn.relu(-1.0 * A_ij / v_i - THETA)
    new_edge_attr = jnp.concatenate([A_ij, S_ij], axis=1)  # [E, 2]

    w_ij = new_edge_attr[:, 1]
    return w_ij

if __name__ == "__main__":
    import jax
    _d = setup_inputs()
    print(jax.jit(kernel)(*tuple(_d.values())))

</pallas_src>

<mosaic_0001>
#map = affine_map<(d0, d1) -> (0)>
module attributes {stable_mosaic.version = 14 : i64} {
  func.func @k1(%arg0: i32, %arg1: i32, %arg2: memref<320000xi32, #tpu.memory_space<hbm>>, %arg3: memref<161280xf32, #tpu.memory_space<hbm>>, %arg4: memref<158720xf32, #tpu.memory_space<hbm>>, %arg5: memref<20480xf32, #tpu.memory_space<hbm>>, %arg6: memref<10000xi32, #tpu.memory_space<vmem>>, %arg7: memref<10000xf32, #tpu.memory_space<vmem>>, %arg8: memref<10240xf32, #tpu.memory_space<vmem>>, %arg9: memref<10240xf32, #tpu.memory_space<vmem>>, %arg10: memref<10240xf32, #tpu.memory_space<vmem>>, %arg11: memref<10240xf32, #tpu.memory_space<vmem>>, %arg12: memref<10240xf32, #tpu.memory_space<vmem>>, %arg13: memref<10240xf32, #tpu.memory_space<vmem>>, %arg14: memref<16x10240xf32, #tpu.memory_space<vmem_shared>>, %arg15: memref<!tpu.dma_semaphore, #tpu.memory_space<semaphore_mem>>, %arg16: memref<!tpu.dma_semaphore, #tpu.memory_space<semaphore_mem>>) attributes {dimension_semantics = [#tpu.dimension_semantics<core_parallel>, #tpu.dimension_semantics<subcore_parallel>], iteration_bounds = array<i64: 2, 16>, scalar_prefetch = 0 : i64, scratch_operands = 11 : i64, tpu.core_type = #tpu.core_type<sc_vector_subcore>, window_params = [{transform_indices = #map}, {transform_indices = #map}, {transform_indices = #map}, {transform_indices = #map}]} {
    %mul3A = arith.constant 16 : i32
    %mul3A_0 = arith.muli %arg0, %mul3A : i32
    %add3A = arith.addi %mul3A_0, %arg1 : i32
    %mul3A_1 = arith.constant 5040 : i32
    %mul3A_2 = arith.muli %add3A, %mul3A_1 : i32
    %dma_start3A = arith.constant 0 : i32
    %dma_start3A_3 = tpu.memref_slice %arg6[%dma_start3A] : memref<10000xi32, #tpu.memory_space<vmem>> -> memref<5040xi32, #tpu.memory_space<vmem>>
    %dma_start3A_4 = tpu.memref_slice %arg2[%mul3A_2] : memref<320000xi32, #tpu.memory_space<hbm>> -> memref<5040xi32, #tpu.memory_space<hbm>>
    %dma_start3A_5 = arith.constant 0 : i32
    %dma_start3A_6 = tpu.memref_slice %arg6[%dma_start3A_5] : memref<10000xi32, #tpu.memory_space<vmem>> -> memref<5040xi32, #tpu.memory_space<vmem>>
    %dma_start3A_7 = tpu.memref_slice %arg2[%mul3A_2] : memref<320000xi32, #tpu.memory_space<hbm>> -> memref<5040xi32, #tpu.memory_space<hbm>>
    tpu.enqueue_dma source(%dma_start3A_7 : memref<5040xi32, #tpu.memory_space<hbm>>) target(%dma_start3A_6 : memref<5040xi32, #tpu.memory_space<vmem>>) target_semaphore(%arg15 : memref<!tpu.dma_semaphore, #tpu.memory_space<semaphore_mem>>)
    %mul3A_8 = arith.constant 4960 : i32
    %mul3A_9 = arith.muli %add3A, %mul3A_8 : i32
    %add3A_10 = arith.constant 161280 : i32
    %add3A_11 = arith.addi %add3A_10, %mul3A_9 : i32
    %dma_start3A_12 = arith.constant 5040 : i32
    %dma_start3A_13 = tpu.memref_slice %arg6[%dma_start3A_12] : memref<10000xi32, #tpu.memory_space<vmem>> -> memref<4960xi32, #tpu.memory_space<vmem>>
    %dma_start3A_14 = tpu.memref_slice %arg2[%add3A_11] : memref<320000xi32, #tpu.memory_space<hbm>> -> memref<4960xi32, #tpu.memory_space<hbm>>
    %dma_start3A_15 = arith.constant 5040 : i32
    %dma_start3A_16 = tpu.memref_slice %arg6[%dma_start3A_15] : memref<10000xi32, #tpu.memory_space<vmem>> -> memref<4960xi32, #tpu.memory_space<vmem>>
    %dma_start3A_17 = tpu.memref_slice %arg2[%add3A_11] : memref<320000xi32, #tpu.memory_space<hbm>> -> memref<4960xi32, #tpu.memory_space<hbm>>
    tpu.enqueue_dma source(%dma_start3A_17 : memref<4960xi32, #tpu.memory_space<hbm>>) target(%dma_start3A_16 : memref<4960xi32, #tpu.memory_space<vmem>>) target_semaphore(%arg15 : memref<!tpu.dma_semaphore, #tpu.memory_space<semaphore_mem>>)
    %mul3A_18 = arith.constant 5040 : i32
    %mul3A_19 = arith.muli %add3A, %mul3A_18 : i32
    %dma_start3A_20 = arith.constant 0 : i32
    %dma_start3A_21 = tpu.memref_slice %arg7[%dma_start3A_20] : memref<10000xf32, #tpu.memory_space<vmem>> -> memref<5040xf32, #tpu.memory_space<vmem>>
    %dma_start3A_22 = tpu.memref_slice %arg3[%mul3A_19] : memref<161280xf32, #tpu.memory_space<hbm>> -> memref<5040xf32, #tpu.memory_space<hbm>>
    %dma_start3A_23 = arith.constant 0 : i32
    %dma_start3A_24 = tpu.memref_slice %arg7[%dma_start3A_23] : memref<10000xf32, #tpu.memory_space<vmem>> -> memref<5040xf32, #tpu.memory_space<vmem>>
    %dma_start3A_25 = tpu.memref_slice %arg3[%mul3A_19] : memref<161280xf32, #tpu.memory_space<hbm>> -> memref<5040xf32, #tpu.memory_space<hbm>>
    tpu.enqueue_dma source(%dma_start3A_25 : memref<5040xf32, #tpu.memory_space<hbm>>) target(%dma_start3A_24 : memref<5040xf32, #tpu.memory_space<vmem>>) target_semaphore(%arg16 : memref<!tpu.dma_semaphore, #tpu.memory_space<semaphore_mem>>)
    %mul3A_26 = arith.constant 4960 : i32
    %mul3A_27 = arith.muli %add3A, %mul3A_26 : i32
    %dma_start3A_28 = arith.constant 5040 : i32
    %dma_start3A_29 = tpu.memref_slice %arg7[%dma_start3A_28] : memref<10000xf32, #tpu.memory_space<vmem>> -> memref<4960xf32, #tpu.memory_space<vmem>>
    %dma_start3A_30 = tpu.memref_slice %arg4[%mul3A_27] : memref<158720xf32, #tpu.memory_space<hbm>> -> memref<4960xf32, #tpu.memory_space<hbm>>
    %dma_start3A_31 = arith.constant 5040 : i32
    %dma_start3A_32 = tpu.memref_slice %arg7[%dma_start3A_31] : memref<10000xf32, #tpu.memory_space<vmem>> -> memref<4960xf32, #tpu.memory_space<vmem>>
    %dma_start3A_33 = tpu.memref_slice %arg4[%mul3A_27] : memref<158720xf32, #tpu.memory_space<hbm>> -> memref<4960xf32, #tpu.memory_space<hbm>>
    tpu.enqueue_dma source(%dma_start3A_33 : memref<4960xf32, #tpu.memory_space<hbm>>) target(%dma_start3A_32 : memref<4960xf32, #tpu.memory_space<vmem>>) target_semaphore(%arg16 : memref<!tpu.dma_semaphore, #tpu.memory_space<semaphore_mem>>)
    %broadcast_in_dim3A = arith.constant 0x7F800000 : f32
    %broadcast_in_dim3A_34 = vector.broadcast %broadcast_in_dim3A : f32 to vector<16xf32>
    %scan3A = arith.constant 0 : i32
    %scan3A_35 = arith.constant 0 : i32
    %scan3A_36 = arith.constant 640 : i32
    %scan3A_37 = arith.addi %scan3A_35, %scan3A_36 : i32
    %scan3A_38 = arith.constant 1 : i32
    scf.for %scan3A_374 = %scan3A_35 to %scan3A_37 step %scan3A_38  : i32 {
      %mul3A_375 = arith.constant 16 : i32
      %mul3A_376 = arith.muli %scan3A_374, %mul3A_375 : i32
      %swap3A = arith.index_cast %mul3A_376 : i32 to index
      %swap3A_377 = tpu.vector_load %arg8[%swap3A] {strides = array<i32>} : memref<10240xf32, #tpu.memory_space<vmem>>, vector<16xf32>,
      tpu.vector_store %arg8[%swap3A], %broadcast_in_dim3A_34 {strides = array<i32>} : memref<10240xf32, #tpu.memory_space<vmem>>, vector<16xf32>,
      %mul3A_378 = arith.constant 16 : i32
      %mul3A_379 = arith.muli %scan3A_374, %mul3A_378 : i32
      %swap3A_380 = arith.index_cast %mul3A_379 : i32 to index
      %swap3A_381 = tpu.vector_load %arg9[%swap3A_380] {strides = array<i32>} : memref<10240xf32, #tpu.memory_space<vmem>>, vector<16xf32>,
      tpu.vector_store %arg9[%swap3A_380], %broadcast_in_dim3A_34 {strides = array<i32>} : memref<10240xf32, #tpu.memory_space<vmem>>, vector<16xf32>,
      %mul3A_382 = arith.constant 16 : i32
      %mul3A_383 = arith.muli %scan3A_374, %mul3A_382 : i32
      %swap3A_384 = arith.index_cast %mul3A_383 : i32 to index
      %swap3A_385 = tpu.vector_load %arg10[%swap3A_384] {strides = array<i32>} : memref<10240xf32, #tpu.memory_space<vmem>>, vector<16xf32>,
      tpu.vector_store %arg10[%swap3A_384], %broadcast_in_dim3A_34 {strides = array<i32>} : memref<10240xf32, #tpu.memory_space<vmem>>, vector<16xf32>,
      %mul3A_386 = arith.constant 16 : i32
      %mul3A_387 = arith.muli %scan3A_374, %mul3A_386 : i32
      %swap3A_388 = arith.index_cast %mul3A_387 : i32 to index
      %swap3A_389 = tpu.vector_load %arg11[%swap3A_388] {strides = array<i32>} : memref<10240xf32, #tpu.memory_space<vmem>>, vector<16xf32>,
      tpu.vector_store %arg11[%swap3A_388], %broadcast_in_dim3A_34 {strides = array<i32>} : memref<10240xf32, #tpu.memory_space<vmem>>, vector<16xf32>,
      %mul3A_390 = arith.constant 16 : i32
      %mul3A_391 = arith.muli %scan3A_374, %mul3A_390 : i32
      %swap3A_392 = arith.index_cast %mul3A_391 : i32 to index
      %swap3A_393 = tpu.vector_load %arg12[%swap3A_392] {strides = array<i32>} : memref<10240xf32, #tpu.memory_space<vmem>>, vector<16xf32>,
      tpu.vector_store %arg12[%swap3A_392], %broadcast_in_dim3A_34 {strides = array<i32>} : memref<10240xf32, #tpu.memory_space<vmem>>, vector<16xf32>,
    }
    %scan3A_39 = arith.constant 640 : i32
    %dma_wait3A = arith.constant 0 : i32
    %dma_wait3A_40 = tpu.memref_slice %arg6[%dma_wait3A] : memref<10000xi32, #tpu.memory_space<vmem>> -> memref<5040xi32, #tpu.memory_space<vmem>>
    %dma_wait3A_41 = tpu.memref_slice %arg2[%mul3A_2] : memref<320000xi32, #tpu.memory_space<hbm>> -> memref<5040xi32, #tpu.memory_space<hbm>>
    %dma_wait3A_42 = arith.constant 0 : i32
    %dma_wait3A_43 = tpu.memref_slice %arg6[%dma_wait3A_42] : memref<10000xi32, #tpu.memory_space<vmem>> -> memref<5040xi32, #tpu.memory_space<vmem>>
    %dma_wait3A_44 = tpu.memref_slice %arg2[%mul3A_2] : memref<320000xi32, #tpu.memory_space<hbm>> -> memref<5040xi32, #tpu.memory_space<hbm>>
    tpu.wait_dma2 semaphore(%arg15 : memref<!tpu.dma_semaphore, #tpu.memory_space<semaphore_mem>>) src(%dma_wait3A_44 : memref<5040xi32, #tpu.memory_space<hbm>>) dst(%dma_wait3A_43 : memref<5040xi32, #tpu.memory_space<vmem>>)
    %dma_wait3A_45 = arith.constant 5040 : i32
    %dma_wait3A_46 = tpu.memref_slice %arg6[%dma_wait3A_45] : memref<10000xi32, #tpu.memory_space<vmem>> -> memref<4960xi32, #tpu.memory_space<vmem>>
    %dma_wait3A_47 = tpu.memref_slice %arg2[%add3A_11] : memref<320000xi32, #tpu.memory_space<hbm>> -> memref<4960xi32, #tpu.memory_space<hbm>>
    %dma_wait3A_48 = arith.constant 5040 : i32
    %dma_wait3A_49 = tpu.memref_slice %arg6[%dma_wait3A_48] : memref<10000xi32, #tpu.memory_space<vmem>> -> memref<4960xi32, #tpu.memory_space<vmem>>
    %dma_wait3A_50 = tpu.memref_slice %arg2[%add3A_11] : memref<320000xi32, #tpu.memory_space<hbm>> -> memref<4960xi32, #tpu.memory_space<hbm>>
    tpu.wait_dma2 semaphore(%arg15 : memref<!tpu.dma_semaphore, #tpu.memory_space<semaphore_mem>>) src(%dma_wait3A_50 : memref<4960xi32, #tpu.memory_space<hbm>>) dst(%dma_wait3A_49 : memref<4960xi32, #tpu.memory_space<vmem>>)
    %dma_wait3A_51 = arith.constant 0 : i32
    %dma_wait3A_52 = tpu.memref_slice %arg7[%dma_wait3A_51] : memref<10000xf32, #tpu.memory_space<vmem>> -> memref<5040xf32, #tpu.memory_space<vmem>>
    %dma_wait3A_53 = tpu.memref_slice %arg3[%mul3A_19] : memref<161280xf32, #tpu.memory_space<hbm>> -> memref<5040xf32, #tpu.memory_space<hbm>>
    %dma_wait3A_54 = arith.constant 0 : i32
    %dma_wait3A_55 = tpu.memref_slice %arg7[%dma_wait3A_54] : memref<10000xf32, #tpu.memory_space<vmem>> -> memref<5040xf32, #tpu.memory_space<vmem>>
    %dma_wait3A_56 = tpu.memref_slice %arg3[%mul3A_19] : memref<161280xf32, #tpu.memory_space<hbm>> -> memref<5040xf32, #tpu.memory_space<hbm>>
    tpu.wait_dma2 semaphore(%arg16 : memref<!tpu.dma_semaphore, #tpu.memory_space<semaphore_mem>>) src(%dma_wait3A_56 : memref<5040xf32, #tpu.memory_space<hbm>>) dst(%dma_wait3A_55 : memref<5040xf32, #tpu.memory_space<vmem>>)
    %dma_wait3A_57 = arith.constant 5040 : i32
    %dma_wait3A_58 = tpu.memref_slice %arg7[%dma_wait3A_57] : memref<10000xf32, #tpu.memory_space<vmem>> -> memref<4960xf32, #tpu.memory_space<vmem>>
    %dma_wait3A_59 = tpu.memref_slice %arg4[%mul3A_27] : memref<158720xf32, #tpu.memory_space<hbm>> -> memref<4960xf32, #tpu.memory_space<hbm>>
    %dma_wait3A_60 = arith.constant 5040 : i32
    %dma_wait3A_61 = tpu.memref_slice %arg7[%dma_wait3A_60] : memref<10000xf32, #tpu.memory_space<vmem>> -> memref<4960xf32, #tpu.memory_space<vmem>>
    %dma_wait3A_62 = tpu.memref_slice %arg4[%mul3A_27] : memref<158720xf32, #tpu.memory_space<hbm>> -> memref<4960xf32, #tpu.memory_space<hbm>>
    tpu.wait_dma2 semaphore(%arg16 : memref<!tpu.dma_semaphore, #tpu.memory_space<semaphore_mem>>) src(%dma_wait3A_62 : memref<4960xf32, #tpu.memory_space<hbm>>) dst(%dma_wait3A_61 : memref<4960xf32, #tpu.memory_space<vmem>>)
    %scan3A_63 = arith.constant 0 : i32
    %scan3A_64 = arith.constant 0 : i32
    %scan3A_65 = arith.constant 125 : i32
    %scan3A_66 = arith.addi %scan3A_64, %scan3A_65 : i32
    %scan3A_67 = arith.constant 1 : i32
    scf.for %scan3A_374 = %scan3A_64 to %scan3A_66 step %scan3A_67  : i32 {
      %mul3A_375 = arith.constant 5 : i32
      %mul3A_376 = arith.muli %scan3A_374, %mul3A_375 : i32
      %mul3A_377 = arith.constant 16 : i32
      %mul3A_378 = arith.muli %mul3A_376, %mul3A_377 : i32
      %add3A_379 = arith.constant 0 : i32
      %add3A_380 = arith.addi %mul3A_378, %add3A_379 : i32
      %get3A = arith.index_cast %add3A_380 : i32 to index
      %get3A_381 = tpu.vector_load %arg6[%get3A] {strides = array<i32>} : memref<10000xi32, #tpu.memory_space<vmem>>, vector<16xi32>,
      %add3A_382 = arith.constant 16 : i32
      %add3A_383 = arith.addi %mul3A_378, %add3A_382 : i32
      %get3A_384 = arith.index_cast %add3A_383 : i32 to index
      %get3A_385 = tpu.vector_load %arg6[%get3A_384] {strides = array<i32>} : memref<10000xi32, #tpu.memory_space<vmem>>, vector<16xi32>,
      %add3A_386 = arith.constant 32 : i32
      %add3A_387 = arith.addi %mul3A_378, %add3A_386 : i32
      %get3A_388 = arith.index_cast %add3A_387 : i32 to index
      %get3A_389 = tpu.vector_load %arg6[%get3A_388] {strides = array<i32>} : memref<10000xi32, #tpu.memory_space<vmem>>, vector<16xi32>,
      %add3A_390 = arith.constant 48 : i32
      %add3A_391 = arith.addi %mul3A_378, %add3A_390 : i32
      %get3A_392 = arith.index_cast %add3A_391 : i32 to index
      %get3A_393 = tpu.vector_load %arg6[%get3A_392] {strides = array<i32>} : memref<10000xi32, #tpu.memory_space<vmem>>, vector<16xi32>,
      %add3A_394 = arith.constant 64 : i32
      %add3A_395 = arith.addi %mul3A_378, %add3A_394 : i32
      %get3A_396 = arith.index_cast %add3A_395 : i32 to index
      %get3A_397 = tpu.vector_load %arg6[%get3A_396] {strides = array<i32>} : memref<10000xi32, #tpu.memory_space<vmem>>, vector<16xi32>,
      %add3A_398 = arith.constant 0 : i32
      %add3A_399 = arith.addi %mul3A_378, %add3A_398 : i32
      %get3A_400 = arith.index_cast %add3A_399 : i32 to index
      %get3A_401 = tpu.vector_load %arg7[%get3A_400] {strides = array<i32>} : memref<10000xf32, #tpu.memory_space<vmem>>, vector<16xf32>,
      %add3A_402 = arith.constant 16 : i32
      %add3A_403 = arith.addi %mul3A_378, %add3A_402 : i32
      %get3A_404 = arith.index_cast %add3A_403 : i32 to index
      %get3A_405 = tpu.vector_load %arg7[%get3A_404] {strides = array<i32>} : memref<10000xf32, #tpu.memory_space<vmem>>, vector<16xf32>,
      %add3A_406 = arith.constant 32 : i32
      %add3A_407 = arith.addi %mul3A_378, %add3A_406 : i32
      %get3A_408 = arith.index_cast %add3A_407 : i32 to index
      %get3A_409 = tpu.vector_load %arg7[%get3A_408] {strides = array<i32>} : memref<10000xf32, #tpu.memory_space<vmem>>, vector<16xf32>,
      %add3A_410 = arith.constant 48 : i32
      %add3A_411 = arith.addi %mul3A_378, %add3A_410 : i32
      %get3A_412 = arith.index_cast %add3A_411 : i32 to index
      %get3A_413 = tpu.vector_load %arg7[%get3A_412] {strides = array<i32>} : memref<10000xf32, #tpu.memory_space<vmem>>, vector<16xf32>,
      %add3A_414 = arith.constant 64 : i32
      %add3A_415 = arith.addi %mul3A_378, %add3A_414 : i32
      %get3A_416 = arith.index_cast %add3A_415 : i32 to index
      %get3A_417 = tpu.vector_load %arg7[%get3A_416] {strides = array<i32>} : memref<10000xf32, #tpu.memory_space<vmem>>, vector<16xf32>,
      %gather3A = tpu.vector_load_idx %arg8[%get3A_381] : memref<10240xf32, #tpu.memory_space<vmem>>[vector<16xi32>], vector<16xf32>,
      %gather3A_418 = tpu.vector_load_idx %arg9[%get3A_385] : memref<10240xf32, #tpu.memory_space<vmem>>[vector<16xi32>], vector<16xf32>,
      %gather3A_419 = tpu.vector_load_idx %arg10[%get3A_389] : memref<10240xf32, #tpu.memory_space<vmem>>[vector<16xi32>], vector<16xf32>,
      %gather3A_420 = tpu.vector_load_idx %arg11[%get3A_393] : memref<10240xf32, #tpu.memory_space<vmem>>[vector<16xi32>], vector<16xf32>,
      %gather3A_421 = tpu.vector_load_idx %arg12[%get3A_397] : memref<10240xf32, #tpu.memory_space<vmem>>[vector<16xi32>], vector<16xf32>,
      %lt3A = arith.cmpf olt, %get3A_401, %gather3A : vector<16xf32>
      %lt3A_422 = arith.cmpf olt, %get3A_405, %gather3A_418 : vector<16xf32>
      %lt3A_423 = arith.cmpf olt, %get3A_409, %gather3A_419 : vector<16xf32>
      %lt3A_424 = arith.cmpf olt, %get3A_413, %gather3A_420 : vector<16xf32>
      %lt3A_425 = arith.cmpf olt, %get3A_417, %gather3A_421 : vector<16xf32>
      tpu.vector_store_idx %arg8[%get3A_381], %get3A_401 masked %lt3A : memref<10240xf32, #tpu.memory_space<vmem>>[vector<16xi32>], vector<16xf32>, vector<16xi1>
      tpu.vector_store_idx %arg9[%get3A_385], %get3A_405 masked %lt3A_422 : memref<10240xf32, #tpu.memory_space<vmem>>[vector<16xi32>], vector<16xf32>, vector<16xi1>
      tpu.vector_store_idx %arg10[%get3A_389], %get3A_409 masked %lt3A_423 : memref<10240xf32, #tpu.memory_space<vmem>>[vector<16xi32>], vector<16xf32>, vector<16xi1>
      tpu.vector_store_idx %arg11[%get3A_393], %get3A_413 masked %lt3A_424 : memref<10240xf32, #tpu.memory_space<vmem>>[vector<16xi32>], vector<16xf32>, vector<16xi1>
      tpu.vector_store_idx %arg12[%get3A_397], %get3A_417 masked %lt3A_425 : memref<10240xf32, #tpu.memory_space<vmem>>[vector<16xi32>], vector<16xf32>, vector<16xi1>
      %gather3A_426 = tpu.vector_load_idx %arg8[%get3A_381] : memref<10240xf32, #tpu.memory_space<vmem>>[vector<16xi32>], vector<16xf32>,
      %gather3A_427 = tpu.vector_load_idx %arg9[%get3A_385] : memref<10240xf32, #tpu.memory_space<vmem>>[vector<16xi32>], vector<16xf32>,
      %gather3A_428 = tpu.vector_load_idx %arg10[%get3A_389] : memref<10240xf32, #tpu.memory_space<vmem>>[vector<16xi32>], vector<16xf32>,
      %gather3A_429 = tpu.vector_load_idx %arg11[%get3A_393] : memref<10240xf32, #tpu.memory_space<vmem>>[vector<16xi32>], vector<16xf32>,
      %gather3A_430 = tpu.vector_load_idx %arg12[%get3A_397] : memref<10240xf32, #tpu.memory_space<vmem>>[vector<16xi32>], vector<16xf32>,
      %lt3A_431 = arith.cmpf olt, %get3A_401, %gather3A_426 : vector<16xf32>
      %lt3A_432 = arith.cmpf olt, %get3A_405, %gather3A_427 : vector<16xf32>
      %lt3A_433 = arith.cmpf olt, %get3A_409, %gather3A_428 : vector<16xf32>
      %lt3A_434 = arith.cmpf olt, %get3A_413, %gather3A_429 : vector<16xf32>
      %lt3A_435 = arith.cmpf olt, %get3A_417, %gather3A_430 : vector<16xf32>
      %or3A = arith.ori %lt3A_431, %lt3A_432 : vector<16xi1>
      %or3A_436 = arith.ori %or3A, %lt3A_433 : vector<16xi1>
      %or3A_437 = arith.ori %or3A_436, %lt3A_434 : vector<16xi1>
      %or3A_438 = arith.ori %or3A_437, %lt3A_435 : vector<16xi1>
      %reduce_or3A = arith.constant 1.000000e+00 : f32
      %reduce_or3A_439 = arith.constant 0.000000e+00 : f32
      %reduce_or3A_440 = vector.broadcast %reduce_or3A : f32 to vector<16xf32>
      %reduce_or3A_441 = vector.broadcast %reduce_or3A_439 : f32 to vector<16xf32>
      %reduce_or3A_442 = arith.select %or3A_438, %reduce_or3A_440, %reduce_or3A_441 : vector<16xi1>, vector<16xf32>
      %reduce_or3A_443 = arith.constant true
      %reduce_or3A_444 = vector.broadcast %reduce_or3A_443 : i1 to vector<16xi1>
      %reduce_or3A_445 = tpu.scan <max>, %reduce_or3A_442 masked %reduce_or3A_444 : vector<16xf32>, vector<16xi1> -> vector<16xf32>
      %reduce_or3A_446 = vector.extract %reduce_or3A_445[15] : f32 from vector<16xf32>
      %reduce_or3A_447 = arith.constant 0.000000e+00 : f32
      %reduce_or3A_448 = arith.cmpf ogt, %reduce_or3A_446, %reduce_or3A_447 : f32
      %convert_element_type3A = arith.extui %reduce_or3A_448 : i1 to i32
      %cond3A = arith.constant 0 : i32
      %cond3A_449 = arith.cmpi ne, %convert_element_type3A, %cond3A : i32
      scf.if %cond3A_449 {
        %while3A = scf.while (%while3A_454 = %lt3A_431) : (vector<16xi1>) -> vector<16xi1> {
          %reduce_or3A_455 = arith.constant 1.000000e+00 : f32
          %reduce_or3A_456 = arith.constant 0.000000e+00 : f32
          %reduce_or3A_457 = vector.broadcast %reduce_or3A_455 : f32 to vector<16xf32>
          %reduce_or3A_458 = vector.broadcast %reduce_or3A_456 : f32 to vector<16xf32>
          %reduce_or3A_459 = arith.select %while3A_454, %reduce_or3A_457, %reduce_or3A_458 : vector<16xi1>, vector<16xf32>
          %reduce_or3A_460 = arith.constant true
          %reduce_or3A_461 = vector.broadcast %reduce_or3A_460 : i1 to vector<16xi1>
          %reduce_or3A_462 = tpu.scan <max>, %reduce_or3A_459 masked %reduce_or3A_461 : vector<16xf32>, vector<16xi1> -> vector<16xf32>
          %reduce_or3A_463 = vector.extract %reduce_or3A_462[15] : f32 from vector<16xf32>
          %reduce_or3A_464 = arith.constant 0.000000e+00 : f32
          %reduce_or3A_465 = arith.cmpf ogt, %reduce_or3A_463, %reduce_or3A_464 : f32
          scf.condition(%reduce_or3A_465) %while3A_454 : vector<16xi1>
        } do {
        ^bb0(%while3A_454: vector<16xi1>):
          tpu.vector_store_idx %arg8[%get3A_381], %get3A_401 masked %while3A_454 : memref<10240xf32, #tpu.memory_space<vmem>>[vector<16xi32>], vector<16xf32>, vector<16xi1>
          %gather3A_455 = tpu.vector_load_idx %arg8[%get3A_381] : memref<10240xf32, #tpu.memory_space<vmem>>[vector<16xi32>], vector<16xf32>,
          %lt3A_456 = arith.cmpf olt, %get3A_401, %gather3A_455 : vector<16xf32>
          %and3A = arith.andi %while3A_454, %lt3A_456 : vector<16xi1>
          scf.yield %and3A : vector<16xi1>
        }
        %while3A_450 = scf.while (%while3A_454 = %lt3A_432) : (vector<16xi1>) -> vector<16xi1> {
          %reduce_or3A_455 = arith.constant 1.000000e+00 : f32
          %reduce_or3A_456 = arith.constant 0.000000e+00 : f32
          %reduce_or3A_457 = vector.broadcast %reduce_or3A_455 : f32 to vector<16xf32>
          %reduce_or3A_458 = vector.broadcast %reduce_or3A_456 : f32 to vector<16xf32>
          %reduce_or3A_459 = arith.select %while3A_454, %reduce_or3A_457, %reduce_or3A_458 : vector<16xi1>, vector<16xf32>
          %reduce_or3A_460 = arith.constant true
          %reduce_or3A_461 = vector.broadcast %reduce_or3A_460 : i1 to vector<16xi1>
          %reduce_or3A_462 = tpu.scan <max>, %reduce_or3A_459 masked %reduce_or3A_461 : vector<16xf32>, vector<16xi1> -> vector<16xf32>
          %reduce_or3A_463 = vector.extract %reduce_or3A_462[15] : f32 from vector<16xf32>
          %reduce_or3A_464 = arith.constant 0.000000e+00 : f32
          %reduce_or3A_465 = arith.cmpf ogt, %reduce_or3A_463, %reduce_or3A_464 : f32
          scf.condition(%reduce_or3A_465) %while3A_454 : vector<16xi1>
        } do {
        ^bb0(%while3A_454: vector<16xi1>):
          tpu.vector_store_idx %arg9[%get3A_385], %get3A_405 masked %while3A_454 : memref<10240xf32, #tpu.memory_space<vmem>>[vector<16xi32>], vector<16xf32>, vector<16xi1>
          %gather3A_455 = tpu.vector_load_idx %arg9[%get3A_385] : memref<10240xf32, #tpu.memory_space<vmem>>[vector<16xi32>], vector<16xf32>,
          %lt3A_456 = arith.cmpf olt, %get3A_405, %gather3A_455 : vector<16xf32>
          %and3A = arith.andi %while3A_454, %lt3A_456 : vector<16xi1>
          scf.yield %and3A : vector<16xi1>
        }
        %while3A_451 = scf.while (%while3A_454 = %lt3A_433) : (vector<16xi1>) -> vector<16xi1> {
          %reduce_or3A_455 = arith.constant 1.000000e+00 : f32
          %reduce_or3A_456 = arith.constant 0.000000e+00 : f32
          %reduce_or3A_457 = vector.broadcast %reduce_or3A_455 : f32 to vector<16xf32>
          %reduce_or3A_458 = vector.broadcast %reduce_or3A_456 : f32 to vector<16xf32>
          %reduce_or3A_459 = arith.select %while3A_454, %reduce_or3A_457, %reduce_or3A_458 : vector<16xi1>, vector<16xf32>
          %reduce_or3A_460 = arith.constant true
          %reduce_or3A_461 = vector.broadcast %reduce_or3A_460 : i1 to vector<16xi1>
          %reduce_or3A_462 = tpu.scan <max>, %reduce_or3A_459 masked %reduce_or3A_461 : vector<16xf32>, vector<16xi1> -> vector<16xf32>
          %reduce_or3A_463 = vector.extract %reduce_or3A_462[15] : f32 from vector<16xf32>
          %reduce_or3A_464 = arith.constant 0.000000e+00 : f32
          %reduce_or3A_465 = arith.cmpf ogt, %reduce_or3A_463, %reduce_or3A_464 : f32
          scf.condition(%reduce_or3A_465) %while3A_454 : vector<16xi1>
        } do {
        ^bb0(%while3A_454: vector<16xi1>):
          tpu.vector_store_idx %arg10[%get3A_389], %get3A_409 masked %while3A_454 : memref<10240xf32, #tpu.memory_space<vmem>>[vector<16xi32>], vector<16xf32>, vector<16xi1>
          %gather3A_455 = tpu.vector_load_idx %arg10[%get3A_389] : memref<10240xf32, #tpu.memory_space<vmem>>[vector<16xi32>], vector<16xf32>,
          %lt3A_456 = arith.cmpf olt, %get3A_409, %gather3A_455 : vector<16xf32>
          %and3A = arith.andi %while3A_454, %lt3A_456 : vector<16xi1>
          scf.yield %and3A : vector<16xi1>
        }
        %while3A_452 = scf.while (%while3A_454 = %lt3A_434) : (vector<16xi1>) -> vector<16xi1> {
          %reduce_or3A_455 = arith.constant 1.000000e+00 : f32
          %reduce_or3A_456 = arith.constant 0.000000e+00 : f32
          %reduce_or3A_457 = vector.broadcast %reduce_or3A_455 : f32 to vector<16xf32>
          %reduce_or3A_458 = vector.broadcast %reduce_or3A_456 : f32 to vector<16xf32>
          %reduce_or3A_459 = arith.select %while3A_454, %reduce_or3A_457, %reduce_or3A_458 : vector<16xi1>, vector<16xf32>
          %reduce_or3A_460 = arith.constant true
          %reduce_or3A_461 = vector.broadcast %reduce_or3A_460 : i1 to vector<16xi1>
          %reduce_or3A_462 = tpu.scan <max>, %reduce_or3A_459 masked %reduce_or3A_461 : vector<16xf32>, vector<16xi1> -> vector<16xf32>
          %reduce_or3A_463 = vector.extract %reduce_or3A_462[15] : f32 from vector<16xf32>
          %reduce_or3A_464 = arith.constant 0.000000e+00 : f32
          %reduce_or3A_465 = arith.cmpf ogt, %reduce_or3A_463, %reduce_or3A_464 : f32
          scf.condition(%reduce_or3A_465) %while3A_454 : vector<16xi1>
        } do {
        ^bb0(%while3A_454: vector<16xi1>):
          tpu.vector_store_idx %arg11[%get3A_393], %get3A_413 masked %while3A_454 : memref<10240xf32, #tpu.memory_space<vmem>>[vector<16xi32>], vector<16xf32>, vector<16xi1>
          %gather3A_455 = tpu.vector_load_idx %arg11[%get3A_393] : memref<10240xf32, #tpu.memory_space<vmem>>[vector<16xi32>], vector<16xf32>,
          %lt3A_456 = arith.cmpf olt, %get3A_413, %gather3A_455 : vector<16xf32>
          %and3A = arith.andi %while3A_454, %lt3A_456 : vector<16xi1>
          scf.yield %and3A : vector<16xi1>
        }
        %while3A_453 = scf.while (%while3A_454 = %lt3A_435) : (vector<16xi1>) -> vector<16xi1> {
          %reduce_or3A_455 = arith.constant 1.000000e+00 : f32
          %reduce_or3A_456 = arith.constant 0.000000e+00 : f32
          %reduce_or3A_457 = vector.broadcast %reduce_or3A_455 : f32 to vector<16xf32>
          %reduce_or3A_458 = vector.broadcast %reduce_or3A_456 : f32 to vector<16xf32>
          %reduce_or3A_459 = arith.select %while3A_454, %reduce_or3A_457, %reduce_or3A_458 : vector<16xi1>, vector<16xf32>
          %reduce_or3A_460 = arith.constant true
          %reduce_or3A_461 = vector.broadcast %reduce_or3A_460 : i1 to vector<16xi1>
          %reduce_or3A_462 = tpu.scan <max>, %reduce_or3A_459 masked %reduce_or3A_461 : vector<16xf32>, vector<16xi1> -> vector<16xf32>
          %reduce_or3A_463 = vector.extract %reduce_or3A_462[15] : f32 from vector<16xf32>
          %reduce_or3A_464 = arith.constant 0.000000e+00 : f32
          %reduce_or3A_465 = arith.cmpf ogt, %reduce_or3A_463, %reduce_or3A_464 : f32
          scf.condition(%reduce_or3A_465) %while3A_454 : vector<16xi1>
        } do {
        ^bb0(%while3A_454: vector<16xi1>):
          tpu.vector_store_idx %arg12[%get3A_397], %get3A_417 masked %while3A_454 : memref<10240xf32, #tpu.memory_space<vmem>>[vector<16xi32>], vector<16xf32>, vector<16xi1>
          %gather3A_455 = tpu.vector_load_idx %arg12[%get3A_397] : memref<10240xf32, #tpu.memory_space<vmem>>[vector<16xi32>], vector<16xf32>,
          %lt3A_456 = arith.cmpf olt, %get3A_417, %gather3A_455 : vector<16xf32>
          %and3A = arith.andi %while3A_454, %lt3A_456 : vector<16xi1>
          scf.yield %and3A : vector<16xi1>
        }
      } else {
      }
    }
    %scan3A_68 = arith.constant 125 : i32
    %scan3A_69 = arith.constant 0 : i32
    %scan3A_70 = arith.constant 0 : i32
    %scan3A_71 = arith.constant 640 : i32
    %scan3A_72 = arith.addi %scan3A_70, %scan3A_71 : i32
    %scan3A_73 = arith.constant 1 : i32
    scf.for %scan3A_374 = %scan3A_70 to %scan3A_72 step %scan3A_73  : i32 {
      %mul3A_375 = arith.constant 16 : i32
      %mul3A_376 = arith.muli %scan3A_374, %mul3A_375 : i32
      %get3A = arith.index_cast %mul3A_376 : i32 to index
      %get3A_377 = tpu.vector_load %arg8[%get3A] {strides = array<i32>} : memref<10240xf32, #tpu.memory_space<vmem>>, vector<16xf32>,
      %get3A_378 = arith.index_cast %mul3A_376 : i32 to index
      %get3A_379 = tpu.vector_load %arg9[%get3A_378] {strides = array<i32>} : memref<10240xf32, #tpu.memory_space<vmem>>, vector<16xf32>,
      %min3A = arith.minimumf %get3A_377, %get3A_379 : vector<16xf32>
      %get3A_380 = arith.index_cast %mul3A_376 : i32 to index
      %get3A_381 = tpu.vector_load %arg10[%get3A_380] {strides = array<i32>} : memref<10240xf32, #tpu.memory_space<vmem>>, vector<16xf32>,
      %min3A_382 = arith.minimumf %min3A, %get3A_381 : vector<16xf32>
      %get3A_383 = arith.index_cast %mul3A_376 : i32 to index
      %get3A_384 = tpu.vector_load %arg11[%get3A_383] {strides = array<i32>} : memref<10240xf32, #tpu.memory_space<vmem>>, vector<16xf32>,
      %min3A_385 = arith.minimumf %min3A_382, %get3A_384 : vector<16xf32>
      %get3A_386 = arith.index_cast %mul3A_376 : i32 to index
      %get3A_387 = tpu.vector_load %arg12[%get3A_386] {strides = array<i32>} : memref<10240xf32, #tpu.memory_space<vmem>>, vector<16xf32>,
      %min3A_388 = arith.minimumf %min3A_385, %get3A_387 : vector<16xf32>
      %swap3A = arith.index_cast %mul3A_376 : i32 to index
      %swap3A_389 = tpu.vector_load %arg13[%swap3A] {strides = array<i32>} : memref<10240xf32, #tpu.memory_space<vmem>>, vector<16xf32>,
      tpu.vector_store %arg13[%swap3A], %min3A_388 {strides = array<i32>} : memref<10240xf32, #tpu.memory_space<vmem>>, vector<16xf32>,
    }
    %scan3A_74 = arith.constant 640 : i32
    "tpu.region"() ({
      %run_scoped3A = tpu.sem_alloc : memref<!tpu.dma_semaphore, #tpu.memory_space<semaphore_mem>>
      %dma_start3A_374 = arith.constant 0 : i32
      %dma_start3A_375 = tpu.memref_slice %arg14[%arg1, %dma_start3A_374] : memref<16x10240xf32, #tpu.memory_space<vmem_shared>> -> memref<1x10240xf32, #tpu.memory_space<vmem_shared>>
      %dma_start3A_376 = tpu.memref_squeeze %dma_start3A_375 : memref<1x10240xf32, #tpu.memory_space<vmem_shared>> -> memref<10240xf32, #tpu.memory_space<vmem_shared>>
      %dma_start3A_377 = arith.constant 0 : i32
      %dma_start3A_378 = tpu.memref_slice %arg14[%arg1, %dma_start3A_377] : memref<16x10240xf32, #tpu.memory_space<vmem_shared>> -> memref<1x10240xf32, #tpu.memory_space<vmem_shared>>
      %dma_start3A_379 = tpu.memref_squeeze %dma_start3A_378 : memref<1x10240xf32, #tpu.memory_space<vmem_shared>> -> memref<10240xf32, #tpu.memory_space<vmem_shared>>
      tpu.enqueue_dma source(%arg13 : memref<10240xf32, #tpu.memory_space<vmem>>) target(%dma_start3A_379 : memref<10240xf32, #tpu.memory_space<vmem_shared>>) target_semaphore(%run_scoped3A : memref<!tpu.dma_semaphore, #tpu.memory_space<semaphore_mem>>)
      %dma_wait3A_380 = arith.constant 0 : i32
      %dma_wait3A_381 = tpu.memref_slice %arg14[%arg1, %dma_wait3A_380] : memref<16x10240xf32, #tpu.memory_space<vmem_shared>> -> memref<1x10240xf32, #tpu.memory_space<vmem_shared>>
      %dma_wait3A_382 = tpu.memref_squeeze %dma_wait3A_381 : memref<1x10240xf32, #tpu.memory_space<vmem_shared>> -> memref<10240xf32, #tpu.memory_space<vmem_shared>>
      %dma_wait3A_383 = arith.constant 0 : i32
      %dma_wait3A_384 = tpu.memref_slice %arg14[%arg1, %dma_wait3A_383] : memref<16x10240xf32, #tpu.memory_space<vmem_shared>> -> memref<1x10240xf32, #tpu.memory_space<vmem_shared>>
      %dma_wait3A_385 = tpu.memref_squeeze %dma_wait3A_384 : memref<1x10240xf32, #tpu.memory_space<vmem_shared>> -> memref<10240xf32, #tpu.memory_space<vmem_shared>>
      tpu.wait_dma2 semaphore(%run_scoped3A : memref<!tpu.dma_semaphore, #tpu.memory_space<semaphore_mem>>) src(%arg13 : memref<10240xf32, #tpu.memory_space<vmem>>) dst(%dma_wait3A_385 : memref<10240xf32, #tpu.memory_space<vmem_shared>>)
      tpu.yield
    }) : () -> ()
    %barrier3A = arith.constant 0 : index
    tpu.barrier barrier_id(%barrier3A)
    %mul3A_75 = arith.constant 640 : i32
    %mul3A_76 = arith.muli %arg1, %mul3A_75 : i32
    %dma_start3A_77 = arith.constant 0 : i32
    %dma_start3A_78 = arith.constant 0 : i32
    %dma_start3A_79 = tpu.memref_slice %arg8[%dma_start3A_78] : memref<10240xf32, #tpu.memory_space<vmem>> -> memref<640xf32, #tpu.memory_space<vmem>>
    %dma_start3A_80 = tpu.memref_slice %arg14[%dma_start3A_77, %mul3A_76] : memref<16x10240xf32, #tpu.memory_space<vmem_shared>> -> memref<1x640xf32, #tpu.memory_space<vmem_shared>>
    %dma_start3A_81 = tpu.memref_squeeze %dma_start3A_80 : memref<1x640xf32, #tpu.memory_space<vmem_shared>> -> memref<640xf32, #tpu.memory_space<vmem_shared>>
    %dma_start3A_82 = arith.constant 0 : i32
    %dma_start3A_83 = tpu.memref_slice %arg8[%dma_start3A_82] : memref<10240xf32, #tpu.memory_space<vmem>> -> memref<640xf32, #tpu.memory_space<vmem>>
    %dma_start3A_84 = tpu.memref_slice %arg14[%dma_start3A_77, %mul3A_76] : memref<16x10240xf32, #tpu.memory_space<vmem_shared>> -> memref<1x640xf32, #tpu.memory_space<vmem_shared>>
    %dma_start3A_85 = tpu.memref_squeeze %dma_start3A_84 : memref<1x640xf32, #tpu.memory_space<vmem_shared>> -> memref<640xf32, #tpu.memory_space<vmem_shared>>
    tpu.enqueue_dma source(%dma_start3A_85 : memref<640xf32, #tpu.memory_space<vmem_shared>>) target(%dma_start3A_83 : memref<640xf32, #tpu.memory_space<vmem>>) target_semaphore(%arg15 : memref<!tpu.dma_semaphore, #tpu.memory_space<semaphore_mem>>)
    %dma_start3A_86 = arith.constant 1 : i32
    %dma_start3A_87 = arith.constant 640 : i32
    %dma_start3A_88 = tpu.memref_slice %arg8[%dma_start3A_87] : memref<10240xf32, #tpu.memory_space<vmem>> -> memref<640xf32, #tpu.memory_space<vmem>>
    %dma_start3A_89 = tpu.memref_slice %arg14[%dma_start3A_86, %mul3A_76] : memref<16x10240xf32, #tpu.memory_space<vmem_shared>> -> memref<1x640xf32, #tpu.memory_space<vmem_shared>>
    %dma_start3A_90 = tpu.memref_squeeze %dma_start3A_89 : memref<1x640xf32, #tpu.memory_space<vmem_shared>> -> memref<640xf32, #tpu.memory_space<vmem_shared>>
    %dma_start3A_91 = arith.constant 640 : i32
    %dma_start3A_92 = tpu.memref_slice %arg8[%dma_start3A_91] : memref<10240xf32, #tpu.memory_space<vmem>> -> memref<640xf32, #tpu.memory_space<vmem>>
    %dma_start3A_93 = tpu.memref_slice %arg14[%dma_start3A_86, %mul3A_76] : memref<16x10240xf32, #tpu.memory_space<vmem_shared>> -> memref<1x640xf32, #tpu.memory_space<vmem_shared>>
    %dma_start3A_94 = tpu.memref_squeeze %dma_start3A_93 : memref<1x640xf32, #tpu.memory_space<vmem_shared>> -> memref<640xf32, #tpu.memory_space<vmem_shared>>
    tpu.enqueue_dma source(%dma_start3A_94 : memref<640xf32, #tpu.memory_space<vmem_shared>>) target(%dma_start3A_92 : memref<640xf32, #tpu.memory_space<vmem>>) target_semaphore(%arg15 : memref<!tpu.dma_semaphore, #tpu.memory_space<semaphore_mem>>)
    %dma_start3A_95 = arith.constant 2 : i32
    %dma_start3A_96 = arith.constant 1280 : i32
    %dma_start3A_97 = tpu.memref_slice %arg8[%dma_start3A_96] : memref<10240xf32, #tpu.memory_space<vmem>> -> memref<640xf32, #tpu.memory_space<vmem>>
    %dma_start3A_98 = tpu.memref_slice %arg14[%dma_start3A_95, %mul3A_76] : memref<16x10240xf32, #tpu.memory_space<vmem_shared>> -> memref<1x640xf32, #tpu.memory_space<vmem_shared>>
    %dma_start3A_99 = tpu.memref_squeeze %dma_start3A_98 : memref<1x640xf32, #tpu.memory_space<vmem_shared>> -> memref<640xf32, #tpu.memory_space<vmem_shared>>
    %dma_start3A_100 = arith.constant 1280 : i32
    %dma_start3A_101 = tpu.memref_slice %arg8[%dma_start3A_100] : memref<10240xf32, #tpu.memory_space<vmem>> -> memref<640xf32, #tpu.memory_space<vmem>>
    %dma_start3A_102 = tpu.memref_slice %arg14[%dma_start3A_95, %mul3A_76] : memref<16x10240xf32, #tpu.memory_space<vmem_shared>> -> memref<1x640xf32, #tpu.memory_space<vmem_shared>>
    %dma_start3A_103 = tpu.memref_squeeze %dma_start3A_102 : memref<1x640xf32, #tpu.memory_space<vmem_shared>> -> memref<640xf32, #tpu.memory_space<vmem_shared>>
    tpu.enqueue_dma source(%dma_start3A_103 : memref<640xf32, #tpu.memory_space<vmem_shared>>) target(%dma_start3A_101 : memref<640xf32, #tpu.memory_space<vmem>>) target_semaphore(%arg15 : memref<!tpu.dma_semaphore, #tpu.memory_space<semaphore_mem>>)
    %dma_start3A_104 = arith.constant 3 : i32
    %dma_start3A_105 = arith.constant 1920 : i32
    %dma_start3A_106 = tpu.memref_slice %arg8[%dma_start3A_105] : memref<10240xf32, #tpu.memory_space<vmem>> -> memref<640xf32, #tpu.memory_space<vmem>>
    %dma_start3A_107 = tpu.memref_slice %arg14[%dma_start3A_104, %mul3A_76] : memref<16x10240xf32, #tpu.memory_space<vmem_shared>> -> memref<1x640xf32, #tpu.memory_space<vmem_shared>>
    %dma_start3A_108 = tpu.memref_squeeze %dma_start3A_107 : memref<1x640xf32, #tpu.memory_space<vmem_shared>> -> memref<640xf32, #tpu.memory_space<vmem_shared>>
    %dma_start3A_109 = arith.constant 1920 : i32
    %dma_start3A_110 = tpu.memref_slice %arg8[%dma_start3A_109] : memref<10240xf32, #tpu.memory_space<vmem>> -> memref<640xf32, #tpu.memory_space<vmem>>
    %dma_start3A_111 = tpu.memref_slice %arg14[%dma_start3A_104, %mul3A_76] : memref<16x10240xf32, #tpu.memory_space<vmem_shared>> -> memref<1x640xf32, #tpu.memory_space<vmem_shared>>
    %dma_start3A_112 = tpu.memref_squeeze %dma_start3A_111 : memref<1x640xf32, #tpu.memory_space<vmem_shared>> -> memref<640xf32, #tpu.memory_space<vmem_shared>>
    tpu.enqueue_dma source(%dma_start3A_112 : memref<640xf32, #tpu.memory_space<vmem_shared>>) target(%dma_start3A_110 : memref<640xf32, #tpu.memory_space<vmem>>) target_semaphore(%arg15 : memref<!tpu.dma_semaphore, #tpu.memory_space<semaphore_mem>>)
    %dma_start3A_113 = arith.constant 4 : i32
    %dma_start3A_114 = arith.constant 2560 : i32
    %dma_start3A_115 = tpu.memref_slice %arg8[%dma_start3A_114] : memref<10240xf32, #tpu.memory_space<vmem>> -> memref<640xf32, #tpu.memory_space<vmem>>
    %dma_start3A_116 = tpu.memref_slice %arg14[%dma_start3A_113, %mul3A_76] : memref<16x10240xf32, #tpu.memory_space<vmem_shared>> -> memref<1x640xf32, #tpu.memory_space<vmem_shared>>
    %dma_start3A_117 = tpu.memref_squeeze %dma_start3A_116 : memref<1x640xf32, #tpu.memory_space<vmem_shared>> -> memref<640xf32, #tpu.memory_space<vmem_shared>>
    %dma_start3A_118 = arith.constant 2560 : i32
    %dma_start3A_119 = tpu.memref_slice %arg8[%dma_start3A_118] : memref<10240xf32, #tpu.memory_space<vmem>> -> memref<640xf32, #tpu.memory_space<vmem>>
    %dma_start3A_120 = tpu.memref_slice %arg14[%dma_start3A_113, %mul3A_76] : memref<16x10240xf32, #tpu.memory_space<vmem_shared>> -> memref<1x640xf32, #tpu.memory_space<vmem_shared>>
    %dma_start3A_121 = tpu.memref_squeeze %dma_start3A_120 : memref<1x640xf32, #tpu.memory_space<vmem_shared>> -> memref<640xf32, #tpu.memory_space<vmem_shared>>
    tpu.enqueue_dma source(%dma_start3A_121 : memref<640xf32, #tpu.memory_space<vmem_shared>>) target(%dma_start3A_119 : memref<640xf32, #tpu.memory_space<vmem>>) target_semaphore(%arg15 : memref<!tpu.dma_semaphore, #tpu.memory_space<semaphore_mem>>)
    %dma_start3A_122 = arith.constant 5 : i32
    %dma_start3A_123 = arith.constant 3200 : i32
    %dma_start3A_124 = tpu.memref_slice %arg8[%dma_start3A_123] : memref<10240xf32, #tpu.memory_space<vmem>> -> memref<640xf32, #tpu.memory_space<vmem>>
    %dma_start3A_125 = tpu.memref_slice %arg14[%dma_start3A_122, %mul3A_76] : memref<16x10240xf32, #tpu.memory_space<vmem_shared>> -> memref<1x640xf32, #tpu.memory_space<vmem_shared>>
    %dma_start3A_126 = tpu.memref_squeeze %dma_start3A_125 : memref<1x640xf32, #tpu.memory_space<vmem_shared>> -> memref<640xf32, #tpu.memory_space<vmem_shared>>
    %dma_start3A_127 = arith.constant 3200 : i32
    %dma_start3A_128 = tpu.memref_slice %arg8[%dma_start3A_127] : memref<10240xf32, #tpu.memory_space<vmem>> -> memref<640xf32, #tpu.memory_space<vmem>>
    %dma_start3A_129 = tpu.memref_slice %arg14[%dma_start3A_122, %mul3A_76] : memref<16x10240xf32, #tpu.memory_space<vmem_shared>> -> memref<1x640xf32, #tpu.memory_space<vmem_shared>>
    %dma_start3A_130 = tpu.memref_squeeze %dma_start3A_129 : memref<1x640xf32, #tpu.memory_space<vmem_shared>> -> memref<640xf32, #tpu.memory_space<vmem_shared>>
    tpu.enqueue_dma source(%dma_start3A_130 : memref<640xf32, #tpu.memory_space<vmem_shared>>) target(%dma_start3A_128 : memref<640xf32, #tpu.memory_space<vmem>>) target_semaphore(%arg15 : memref<!tpu.dma_semaphore, #tpu.memory_space<semaphore_mem>>)
    %dma_start3A_131 = arith.constant 6 : i32
    %dma_start3A_132 = arith.constant 3840 : i32
    %dma_start3A_133 = tpu.memref_slice %arg8[%dma_start3A_132] : memref<10240xf32, #tpu.memory_space<vmem>> -> memref<640xf32, #tpu.memory_space<vmem>>
    %dma_start3A_134 = tpu.memref_slice %arg14[%dma_start3A_131, %mul3A_76] : memref<16x10240xf32, #tpu.memory_space<vmem_shared>> -> memref<1x640xf32, #tpu.memory_space<vmem_shared>>
    %dma_start3A_135 = tpu.memref_squeeze %dma_start3A_134 : memref<1x640xf32, #tpu.memory_space<vmem_shared>> -> memref<640xf32, #tpu.memory_space<vmem_shared>>
    %dma_start3A_136 = arith.constant 3840 : i32
    %dma_start3A_137 = tpu.memref_slice %arg8[%dma_start3A_136] : memref<10240xf32, #tpu.memory_space<vmem>> -> memref<640xf32, #tpu.memory_space<vmem>>
    %dma_start3A_138 = tpu.memref_slice %arg14[%dma_start3A_131, %mul3A_76] : memref<16x10240xf32, #tpu.memory_space<vmem_shared>> -> memref<1x640xf32, #tpu.memory_space<vmem_shared>>
    %dma_start3A_139 = tpu.memref_squeeze %dma_start3A_138 : memref<1x640xf32, #tpu.memory_space<vmem_shared>> -> memref<640xf32, #tpu.memory_space<vmem_shared>>
    tpu.enqueue_dma source(%dma_start3A_139 : memref<640xf32, #tpu.memory_space<vmem_shared>>) target(%dma_start3A_137 : memref<640xf32, #tpu.memory_space<vmem>>) target_semaphore(%arg15 : memref<!tpu.dma_semaphore, #tpu.memory_space<semaphore_mem>>)
    %dma_start3A_140 = arith.constant 7 : i32
    %dma_start3A_141 = arith.constant 4480 : i32
    %dma_start3A_142 = tpu.memref_slice %arg8[%dma_start3A_141] : memref<10240xf32, #tpu.memory_space<vmem>> -> memref<640xf32, #tpu.memory_space<vmem>>
    %dma_start3A_143 = tpu.memref_slice %arg14[%dma_start3A_140, %mul3A_76] : memref<16x10240xf32, #tpu.memory_space<vmem_shared>> -> memref<1x640xf32, #tpu.memory_space<vmem_shared>>
    %dma_start3A_144 = tpu.memref_squeeze %dma_start3A_143 : memref<1x640xf32, #tpu.memory_space<vmem_shared>> -> memref<640xf32, #tpu.memory_space<vmem_shared>>
    %dma_start3A_145 = arith.constant 4480 : i32
    %dma_start3A_146 = tpu.memref_slice %arg8[%dma_start3A_145] : memref<10240xf32, #tpu.memory_space<vmem>> -> memref<640xf32, #tpu.memory_space<vmem>>
    %dma_start3A_147 = tpu.memref_slice %arg14[%dma_start3A_140, %mul3A_76] : memref<16x10240xf32, #tpu.memory_space<vmem_shared>> -> memref<1x640xf32, #tpu.memory_space<vmem_shared>>
    %dma_start3A_148 = tpu.memref_squeeze %dma_start3A_147 : memref<1x640xf32, #tpu.memory_space<vmem_shared>> -> memref<640xf32, #tpu.memory_space<vmem_shared>>
    tpu.enqueue_dma source(%dma_start3A_148 : memref<640xf32, #tpu.memory_space<vmem_shared>>) target(%dma_start3A_146 : memref<640xf32, #tpu.memory_space<vmem>>) target_semaphore(%arg15 : memref<!tpu.dma_semaphore, #tpu.memory_space<semaphore_mem>>)
    %dma_start3A_149 = arith.constant 8 : i32
    %dma_start3A_150 = arith.constant 5120 : i32
    %dma_start3A_151 = tpu.memref_slice %arg8[%dma_start3A_150] : memref<10240xf32, #tpu.memory_space<vmem>> -> memref<640xf32, #tpu.memory_space<vmem>>
    %dma_start3A_152 = tpu.memref_slice %arg14[%dma_start3A_149, %mul3A_76] : memref<16x10240xf32, #tpu.memory_space<vmem_shared>> -> memref<1x640xf32, #tpu.memory_space<vmem_shared>>
    %dma_start3A_153 = tpu.memref_squeeze %dma_start3A_152 : memref<1x640xf32, #tpu.memory_space<vmem_shared>> -> memref<640xf32, #tpu.memory_space<vmem_shared>>
    %dma_start3A_154 = arith.constant 5120 : i32
    %dma_start3A_155 = tpu.memref_slice %arg8[%dma_start3A_154] : memref<10240xf32, #tpu.memory_space<vmem>> -> memref<640xf32, #tpu.memory_space<vmem>>
    %dma_start3A_156 = tpu.memref_slice %arg14[%dma_start3A_149, %mul3A_76] : memref<16x10240xf32, #tpu.memory_space<vmem_shared>> -> memref<1x640xf32, #tpu.memory_space<vmem_shared>>
    %dma_start3A_157 = tpu.memref_squeeze %dma_start3A_156 : memref<1x640xf32, #tpu.memory_space<vmem_shared>> -> memref<640xf32, #tpu.memory_space<vmem_shared>>
    tpu.enqueue_dma source(%dma_start3A_157 : memref<640xf32, #tpu.memory_space<vmem_shared>>) target(%dma_start3A_155 : memref<640xf32, #tpu.memory_space<vmem>>) target_semaphore(%arg15 : memref<!tpu.dma_semaphore, #tpu.memory_space<semaphore_mem>>)
    %dma_start3A_158 = arith.constant 9 : i32
    %dma_start3A_159 = arith.constant 5760 : i32
    %dma_start3A_160 = tpu.memref_slice %arg8[%dma_start3A_159] : memref<10240xf32, #tpu.memory_space<vmem>> -> memref<640xf32, #tpu.memory_space<vmem>>
    %dma_start3A_161 = tpu.memref_slice %arg14[%dma_start3A_158, %mul3A_76] : memref<16x10240xf32, #tpu.memory_space<vmem_shared>> -> memref<1x640xf32, #tpu.memory_space<vmem_shared>>
    %dma_start3A_162 = tpu.memref_squeeze %dma_start3A_161 : memref<1x640xf32, #tpu.memory_space<vmem_shared>> -> memref<640xf32, #tpu.memory_space<vmem_shared>>
    %dma_start3A_163 = arith.constant 5760 : i32
    %dma_start3A_164 = tpu.memref_slice %arg8[%dma_start3A_163] : memref<10240xf32, #tpu.memory_space<vmem>> -> memref<640xf32, #tpu.memory_space<vmem>>
    %dma_start3A_165 = tpu.memref_slice %arg14[%dma_start3A_158, %mul3A_76] : memref<16x10240xf32, #tpu.memory_space<vmem_shared>> -> memref<1x640xf32, #tpu.memory_space<vmem_shared>>
    %dma_start3A_166 = tpu.memref_squeeze %dma_start3A_165 : memref<1x640xf32, #tpu.memory_space<vmem_shared>> -> memref<640xf32, #tpu.memory_space<vmem_shared>>
    tpu.enqueue_dma source(%dma_start3A_166 : memref<640xf32, #tpu.memory_space<vmem_shared>>) target(%dma_start3A_164 : memref<640xf32, #tpu.memory_space<vmem>>) target_semaphore(%arg15 : memref<!tpu.dma_semaphore, #tpu.memory_space<semaphore_mem>>)
    %dma_start3A_167 = arith.constant 10 : i32
    %dma_start3A_168 = arith.constant 6400 : i32
    %dma_start3A_169 = tpu.memref_slice %arg8[%dma_start3A_168] : memref<10240xf32, #tpu.memory_space<vmem>> -> memref<640xf32, #tpu.memory_space<vmem>>
    %dma_start3A_170 = tpu.memref_slice %arg14[%dma_start3A_167, %mul3A_76] : memref<16x10240xf32, #tpu.memory_space<vmem_shared>> -> memref<1x640xf32, #tpu.memory_space<vmem_shared>>
    %dma_start3A_171 = tpu.memref_squeeze %dma_start3A_170 : memref<1x640xf32, #tpu.memory_space<vmem_shared>> -> memref<640xf32, #tpu.memory_space<vmem_shared>>
    %dma_start3A_172 = arith.constant 6400 : i32
    %dma_start3A_173 = tpu.memref_slice %arg8[%dma_start3A_172] : memref<10240xf32, #tpu.memory_space<vmem>> -> memref<640xf32, #tpu.memory_space<vmem>>
    %dma_start3A_174 = tpu.memref_slice %arg14[%dma_start3A_167, %mul3A_76] : memref<16x10240xf32, #tpu.memory_space<vmem_shared>> -> memref<1x640xf32, #tpu.memory_space<vmem_shared>>
    %dma_start3A_175 = tpu.memref_squeeze %dma_start3A_174 : memref<1x640xf32, #tpu.memory_space<vmem_shared>> -> memref<640xf32, #tpu.memory_space<vmem_shared>>
    tpu.enqueue_dma source(%dma_start3A_175 : memref<640xf32, #tpu.memory_space<vmem_shared>>) target(%dma_start3A_173 : memref<640xf32, #tpu.memory_space<vmem>>) target_semaphore(%arg15 : memref<!tpu.dma_semaphore, #tpu.memory_space<semaphore_mem>>)
    %dma_start3A_176 = arith.constant 11 : i32
    %dma_start3A_177 = arith.constant 7040 : i32
    %dma_start3A_178 = tpu.memref_slice %arg8[%dma_start3A_177] : memref<10240xf32, #tpu.memory_space<vmem>> -> memref<640xf32, #tpu.memory_space<vmem>>
    %dma_start3A_179 = tpu.memref_slice %arg14[%dma_start3A_176, %mul3A_76] : memref<16x10240xf32, #tpu.memory_space<vmem_shared>> -> memref<1x640xf32, #tpu.memory_space<vmem_shared>>
    %dma_start3A_180 = tpu.memref_squeeze %dma_start3A_179 : memref<1x640xf32, #tpu.memory_space<vmem_shared>> -> memref<640xf32, #tpu.memory_space<vmem_shared>>
    %dma_start3A_181 = arith.constant 7040 : i32
    %dma_start3A_182 = tpu.memref_slice %arg8[%dma_start3A_181] : memref<10240xf32, #tpu.memory_space<vmem>> -> memref<640xf32, #tpu.memory_space<vmem>>
    %dma_start3A_183 = tpu.memref_slice %arg14[%dma_start3A_176, %mul3A_76] : memref<16x10240xf32, #tpu.memory_space<vmem_shared>> -> memref<1x640xf32, #tpu.memory_space<vmem_shared>>
    %dma_start3A_184 = tpu.memref_squeeze %dma_start3A_183 : memref<1x640xf32, #tpu.memory_space<vmem_shared>> -> memref<640xf32, #tpu.memory_space<vmem_shared>>
    tpu.enqueue_dma source(%dma_start3A_184 : memref<640xf32, #tpu.memory_space<vmem_shared>>) target(%dma_start3A_182 : memref<640xf32, #tpu.memory_space<vmem>>) target_semaphore(%arg15 : memref<!tpu.dma_semaphore, #tpu.memory_space<semaphore_mem>>)
    %dma_start3A_185 = arith.constant 12 : i32
    %dma_start3A_186 = arith.constant 7680 : i32
    %dma_start3A_187 = tpu.memref_slice %arg8[%dma_start3A_186] : memref<10240xf32, #tpu.memory_space<vmem>> -> memref<640xf32, #tpu.memory_space<vmem>>
    %dma_start3A_188 = tpu.memref_slice %arg14[%dma_start3A_185, %mul3A_76] : memref<16x10240xf32, #tpu.memory_space<vmem_shared>> -> memref<1x640xf32, #tpu.memory_space<vmem_shared>>
    %dma_start3A_189 = tpu.memref_squeeze %dma_start3A_188 : memref<1x640xf32, #tpu.memory_space<vmem_shared>> -> memref<640xf32, #tpu.memory_space<vmem_shared>>
    %dma_start3A_190 = arith.constant 7680 : i32
    %dma_start3A_191 = tpu.memref_slice %arg8[%dma_start3A_190] : memref<10240xf32, #tpu.memory_space<vmem>> -> memref<640xf32, #tpu.memory_space<vmem>>
    %dma_start3A_192 = tpu.memref_slice %arg14[%dma_start3A_185, %mul3A_76] : memref<16x10240xf32, #tpu.memory_space<vmem_shared>> -> memref<1x640xf32, #tpu.memory_space<vmem_shared>>
    %dma_start3A_193 = tpu.memref_squeeze %dma_start3A_192 : memref<1x640xf32, #tpu.memory_space<vmem_shared>> -> memref<640xf32, #tpu.memory_space<vmem_shared>>
    tpu.enqueue_dma source(%dma_start3A_193 : memref<640xf32, #tpu.memory_space<vmem_shared>>) target(%dma_start3A_191 : memref<640xf32, #tpu.memory_space<vmem>>) target_semaphore(%arg15 : memref<!tpu.dma_semaphore, #tpu.memory_space<semaphore_mem>>)
    %dma_start3A_194 = arith.constant 13 : i32
    %dma_start3A_195 = arith.constant 8320 : i32
    %dma_start3A_196 = tpu.memref_slice %arg8[%dma_start3A_195] : memref<10240xf32, #tpu.memory_space<vmem>> -> memref<640xf32, #tpu.memory_space<vmem>>
    %dma_start3A_197 = tpu.memref_slice %arg14[%dma_start3A_194, %mul3A_76] : memref<16x10240xf32, #tpu.memory_space<vmem_shared>> -> memref<1x640xf32, #tpu.memory_space<vmem_shared>>
    %dma_start3A_198 = tpu.memref_squeeze %dma_start3A_197 : memref<1x640xf32, #tpu.memory_space<vmem_shared>> -> memref<640xf32, #tpu.memory_space<vmem_shared>>
    %dma_start3A_199 = arith.constant 8320 : i32
    %dma_start3A_200 = tpu.memref_slice %arg8[%dma_start3A_199] : memref<10240xf32, #tpu.memory_space<vmem>> -> memref<640xf32, #tpu.memory_space<vmem>>
    %dma_start3A_201 = tpu.memref_slice %arg14[%dma_start3A_194, %mul3A_76] : memref<16x10240xf32, #tpu.memory_space<vmem_shared>> -> memref<1x640xf32, #tpu.memory_space<vmem_shared>>
    %dma_start3A_202 = tpu.memref_squeeze %dma_start3A_201 : memref<1x640xf32, #tpu.memory_space<vmem_shared>> -> memref<640xf32, #tpu.memory_space<vmem_shared>>
    tpu.enqueue_dma source(%dma_start3A_202 : memref<640xf32, #tpu.memory_space<vmem_shared>>) target(%dma_start3A_200 : memref<640xf32, #tpu.memory_space<vmem>>) target_semaphore(%arg15 : memref<!tpu.dma_semaphore, #tpu.memory_space<semaphore_mem>>)
    %dma_start3A_203 = arith.constant 14 : i32
    %dma_start3A_204 = arith.constant 8960 : i32
    %dma_start3A_205 = tpu.memref_slice %arg8[%dma_start3A_204] : memref<10240xf32, #tpu.memory_space<vmem>> -> memref<640xf32, #tpu.memory_space<vmem>>
    %dma_start3A_206 = tpu.memref_slice %arg14[%dma_start3A_203, %mul3A_76] : memref<16x10240xf32, #tpu.memory_space<vmem_shared>> -> memref<1x640xf32, #tpu.memory_space<vmem_shared>>
    %dma_start3A_207 = tpu.memref_squeeze %dma_start3A_206 : memref<1x640xf32, #tpu.memory_space<vmem_shared>> -> memref<640xf32, #tpu.memory_space<vmem_shared>>
    %dma_start3A_208 = arith.constant 8960 : i32
    %dma_start3A_209 = tpu.memref_slice %arg8[%dma_start3A_208] : memref<10240xf32, #tpu.memory_space<vmem>> -> memref<640xf32, #tpu.memory_space<vmem>>
    %dma_start3A_210 = tpu.memref_slice %arg14[%dma_start3A_203, %mul3A_76] : memref<16x10240xf32, #tpu.memory_space<vmem_shared>> -> memref<1x640xf32, #tpu.memory_space<vmem_shared>>
    %dma_start3A_211 = tpu.memref_squeeze %dma_start3A_210 : memref<1x640xf32, #tpu.memory_space<vmem_shared>> -> memref<640xf32, #tpu.memory_space<vmem_shared>>
    tpu.enqueue_dma source(%dma_start3A_211 : memref<640xf32, #tpu.memory_space<vmem_shared>>) target(%dma_start3A_209 : memref<640xf32, #tpu.memory_space<vmem>>) target_semaphore(%arg15 : memref<!tpu.dma_semaphore, #tpu.memory_space<semaphore_mem>>)
    %dma_start3A_212 = arith.constant 15 : i32
    %dma_start3A_213 = arith.constant 9600 : i32
    %dma_start3A_214 = tpu.memref_slice %arg8[%dma_start3A_213] : memref<10240xf32, #tpu.memory_space<vmem>> -> memref<640xf32, #tpu.memory_space<vmem>>
    %dma_start3A_215 = tpu.memref_slice %arg14[%dma_start3A_212, %mul3A_76] : memref<16x10240xf32, #tpu.memory_space<vmem_shared>> -> memref<1x640xf32, #tpu.memory_space<vmem_shared>>
    %dma_start3A_216 = tpu.memref_squeeze %dma_start3A_215 : memref<1x640xf32, #tpu.memory_space<vmem_shared>> -> memref<640xf32, #tpu.memory_space<vmem_shared>>
    %dma_start3A_217 = arith.constant 9600 : i32
    %dma_start3A_218 = tpu.memref_slice %arg8[%dma_start3A_217] : memref<10240xf32, #tpu.memory_space<vmem>> -> memref<640xf32, #tpu.memory_space<vmem>>
    %dma_start3A_219 = tpu.memref_slice %arg14[%dma_start3A_212, %mul3A_76] : memref<16x10240xf32, #tpu.memory_space<vmem_shared>> -> memref<1x640xf32, #tpu.memory_space<vmem_shared>>
    %dma_start3A_220 = tpu.memref_squeeze %dma_start3A_219 : memref<1x640xf32, #tpu.memory_space<vmem_shared>> -> memref<640xf32, #tpu.memory_space<vmem_shared>>
    tpu.enqueue_dma source(%dma_start3A_220 : memref<640xf32, #tpu.memory_space<vmem_shared>>) target(%dma_start3A_218 : memref<640xf32, #tpu.memory_space<vmem>>) target_semaphore(%arg15 : memref<!tpu.dma_semaphore, #tpu.memory_space<semaphore_mem>>)
    %dma_wait3A_221 = arith.constant 0 : i32
    %dma_wait3A_222 = arith.constant 0 : i32
    %dma_wait3A_223 = tpu.memref_slice %arg8[%dma_wait3A_222] : memref<10240xf32, #tpu.memory_space<vmem>> -> memref<640xf32, #tpu.memory_space<vmem>>
    %dma_wait3A_224 = tpu.memref_slice %arg14[%dma_wait3A_221, %mul3A_76] : memref<16x10240xf32, #tpu.memory_space<vmem_shared>> -> memref<1x640xf32, #tpu.memory_space<vmem_shared>>
    %dma_wait3A_225 = tpu.memref_squeeze %dma_wait3A_224 : memref<1x640xf32, #tpu.memory_space<vmem_shared>> -> memref<640xf32, #tpu.memory_space<vmem_shared>>
    %dma_wait3A_226 = arith.constant 0 : i32
    %dma_wait3A_227 = tpu.memref_slice %arg8[%dma_wait3A_226] : memref<10240xf32, #tpu.memory_space<vmem>> -> memref<640xf32, #tpu.memory_space<vmem>>
    %dma_wait3A_228 = tpu.memref_slice %arg14[%dma_wait3A_221, %mul3A_76] : memref<16x10240xf32, #tpu.memory_space<vmem_shared>> -> memref<1x640xf32, #tpu.memory_space<vmem_shared>>
    %dma_wait3A_229 = tpu.memref_squeeze %dma_wait3A_228 : memref<1x640xf32, #tpu.memory_space<vmem_shared>> -> memref<640xf32, #tpu.memory_space<vmem_shared>>
    tpu.wait_dma2 semaphore(%arg15 : memref<!tpu.dma_semaphore, #tpu.memory_space<semaphore_mem>>) src(%dma_wait3A_229 : memref<640xf32, #tpu.memory_space<vmem_shared>>) dst(%dma_wait3A_227 : memref<640xf32, #tpu.memory_space<vmem>>)
    %dma_wait3A_230 = arith.constant 1 : i32
    %dma_wait3A_231 = arith.constant 640 : i32
    %dma_wait3A_232 = tpu.memref_slice %arg8[%dma_wait3A_231] : memref<10240xf32, #tpu.memory_space<vmem>> -> memref<640xf32, #tpu.memory_space<vmem>>
    %dma_wait3A_233 = tpu.memref_slice %arg14[%dma_wait3A_230, %mul3A_76] : memref<16x10240xf32, #tpu.memory_space<vmem_shared>> -> memref<1x640xf32, #tpu.memory_space<vmem_shared>>
    %dma_wait3A_234 = tpu.memref_squeeze %dma_wait3A_233 : memref<1x640xf32, #tpu.memory_space<vmem_shared>> -> memref<640xf32, #tpu.memory_space<vmem_shared>>
    %dma_wait3A_235 = arith.constant 640 : i32
    %dma_wait3A_236 = tpu.memref_slice %arg8[%dma_wait3A_235] : memref<10240xf32, #tpu.memory_space<vmem>> -> memref<640xf32, #tpu.memory_space<vmem>>
    %dma_wait3A_237 = tpu.memref_slice %arg14[%dma_wait3A_230, %mul3A_76] : memref<16x10240xf32, #tpu.memory_space<vmem_shared>> -> memref<1x640xf32, #tpu.memory_space<vmem_shared>>
    %dma_wait3A_238 = tpu.memref_squeeze %dma_wait3A_237 : memref<1x640xf32, #tpu.memory_space<vmem_shared>> -> memref<640xf32, #tpu.memory_space<vmem_shared>>
    tpu.wait_dma2 semaphore(%arg15 : memref<!tpu.dma_semaphore, #tpu.memory_space<semaphore_mem>>) src(%dma_wait3A_238 : memref<640xf32, #tpu.memory_space<vmem_shared>>) dst(%dma_wait3A_236 : memref<640xf32, #tpu.memory_space<vmem>>)
    %dma_wait3A_239 = arith.constant 2 : i32
    %dma_wait3A_240 = arith.constant 1280 : i32
    %dma_wait3A_241 = tpu.memref_slice %arg8[%dma_wait3A_240] : memref<10240xf32, #tpu.memory_space<vmem>> -> memref<640xf32, #tpu.memory_space<vmem>>
    %dma_wait3A_242 = tpu.memref_slice %arg14[%dma_wait3A_239, %mul3A_76] : memref<16x10240xf32, #tpu.memory_space<vmem_shared>> -> memref<1x640xf32, #tpu.memory_space<vmem_shared>>
    %dma_wait3A_243 = tpu.memref_squeeze %dma_wait3A_242 : memref<1x640xf32, #tpu.memory_space<vmem_shared>> -> memref<640xf32, #tpu.memory_space<vmem_shared>>
    %dma_wait3A_244 = arith.constant 1280 : i32
    %dma_wait3A_245 = tpu.memref_slice %arg8[%dma_wait3A_244] : memref<10240xf32, #tpu.memory_space<vmem>> -> memref<640xf32, #tpu.memory_space<vmem>>
    %dma_wait3A_246 = tpu.memref_slice %arg14[%dma_wait3A_239, %mul3A_76] : memref<16x10240xf32, #tpu.memory_space<vmem_shared>> -> memref<1x640xf32, #tpu.memory_space<vmem_shared>>
    %dma_wait3A_247 = tpu.memref_squeeze %dma_wait3A_246 : memref<1x640xf32, #tpu.memory_space<vmem_shared>> -> memref<640xf32, #tpu.memory_space<vmem_shared>>
    tpu.wait_dma2 semaphore(%arg15 : memref<!tpu.dma_semaphore, #tpu.memory_space<semaphore_mem>>) src(%dma_wait3A_247 : memref<640xf32, #tpu.memory_space<vmem_shared>>) dst(%dma_wait3A_245 : memref<640xf32, #tpu.memory_space<vmem>>)
    %dma_wait3A_248 = arith.constant 3 : i32
    %dma_wait3A_249 = arith.constant 1920 : i32
    %dma_wait3A_250 = tpu.memref_slice %arg8[%dma_wait3A_249] : memref<10240xf32, #tpu.memory_space<vmem>> -> memref<640xf32, #tpu.memory_space<vmem>>
    %dma_wait3A_251 = tpu.memref_slice %arg14[%dma_wait3A_248, %mul3A_76] : memref<16x10240xf32, #tpu.memory_space<vmem_shared>> -> memref<1x640xf32, #tpu.memory_space<vmem_shared>>
    %dma_wait3A_252 = tpu.memref_squeeze %dma_wait3A_251 : memref<1x640xf32, #tpu.memory_space<vmem_shared>> -> memref<640xf32, #tpu.memory_space<vmem_shared>>
    %dma_wait3A_253 = arith.constant 1920 : i32
    %dma_wait3A_254 = tpu.memref_slice %arg8[%dma_wait3A_253] : memref<10240xf32, #tpu.memory_space<vmem>> -> memref<640xf32, #tpu.memory_space<vmem>>
    %dma_wait3A_255 = tpu.memref_slice %arg14[%dma_wait3A_248, %mul3A_76] : memref<16x10240xf32, #tpu.memory_space<vmem_shared>> -> memref<1x640xf32, #tpu.memory_space<vmem_shared>>
    %dma_wait3A_256 = tpu.memref_squeeze %dma_wait3A_255 : memref<1x640xf32, #tpu.memory_space<vmem_shared>> -> memref<640xf32, #tpu.memory_space<vmem_shared>>
    tpu.wait_dma2 semaphore(%arg15 : memref<!tpu.dma_semaphore, #tpu.memory_space<semaphore_mem>>) src(%dma_wait3A_256 : memref<640xf32, #tpu.memory_space<vmem_shared>>) dst(%dma_wait3A_254 : memref<640xf32, #tpu.memory_space<vmem>>)
    %dma_wait3A_257 = arith.constant 4 : i32
    %dma_wait3A_258 = arith.constant 2560 : i32
    %dma_wait3A_259 = tpu.memref_slice %arg8[%dma_wait3A_258] : memref<10240xf32, #tpu.memory_space<vmem>> -> memref<640xf32, #tpu.memory_space<vmem>>
    %dma_wait3A_260 = tpu.memref_slice %arg14[%dma_wait3A_257, %mul3A_76] : memref<16x10240xf32, #tpu.memory_space<vmem_shared>> -> memref<1x640xf32, #tpu.memory_space<vmem_shared>>
    %dma_wait3A_261 = tpu.memref_squeeze %dma_wait3A_260 : memref<1x640xf32, #tpu.memory_space<vmem_shared>> -> memref<640xf32, #tpu.memory_space<vmem_shared>>
    %dma_wait3A_262 = arith.constant 2560 : i32
    %dma_wait3A_263 = tpu.memref_slice %arg8[%dma_wait3A_262] : memref<10240xf32, #tpu.memory_space<vmem>> -> memref<640xf32, #tpu.memory_space<vmem>>
    %dma_wait3A_264 = tpu.memref_slice %arg14[%dma_wait3A_257, %mul3A_76] : memref<16x10240xf32, #tpu.memory_space<vmem_shared>> -> memref<1x640xf32, #tpu.memory_space<vmem_shared>>
    %dma_wait3A_265 = tpu.memref_squeeze %dma_wait3A_264 : memref<1x640xf32, #tpu.memory_space<vmem_shared>> -> memref<640xf32, #tpu.memory_space<vmem_shared>>
    tpu.wait_dma2 semaphore(%arg15 : memref<!tpu.dma_semaphore, #tpu.memory_space<semaphore_mem>>) src(%dma_wait3A_265 : memref<640xf32, #tpu.memory_space<vmem_shared>>) dst(%dma_wait3A_263 : memref<640xf32, #tpu.memory_space<vmem>>)
    %dma_wait3A_266 = arith.constant 5 : i32
    %dma_wait3A_267 = arith.constant 3200 : i32
    %dma_wait3A_268 = tpu.memref_slice %arg8[%dma_wait3A_267] : memref<10240xf32, #tpu.memory_space<vmem>> -> memref<640xf32, #tpu.memory_space<vmem>>
    %dma_wait3A_269 = tpu.memref_slice %arg14[%dma_wait3A_266, %mul3A_76] : memref<16x10240xf32, #tpu.memory_space<vmem_shared>> -> memref<1x640xf32, #tpu.memory_space<vmem_shared>>
    %dma_wait3A_270 = tpu.memref_squeeze %dma_wait3A_269 : memref<1x640xf32, #tpu.memory_space<vmem_shared>> -> memref<640xf32, #tpu.memory_space<vmem_shared>>
    %dma_wait3A_271 = arith.constant 3200 : i32
    %dma_wait3A_272 = tpu.memref_slice %arg8[%dma_wait3A_271] : memref<10240xf32, #tpu.memory_space<vmem>> -> memref<640xf32, #tpu.memory_space<vmem>>
    %dma_wait3A_273 = tpu.memref_slice %arg14[%dma_wait3A_266, %mul3A_76] : memref<16x10240xf32, #tpu.memory_space<vmem_shared>> -> memref<1x640xf32, #tpu.memory_space<vmem_shared>>
    %dma_wait3A_274 = tpu.memref_squeeze %dma_wait3A_273 : memref<1x640xf32, #tpu.memory_space<vmem_shared>> -> memref<640xf32, #tpu.memory_space<vmem_shared>>
    tpu.wait_dma2 semaphore(%arg15 : memref<!tpu.dma_semaphore, #tpu.memory_space<semaphore_mem>>) src(%dma_wait3A_274 : memref<640xf32, #tpu.memory_space<vmem_shared>>) dst(%dma_wait3A_272 : memref<640xf32, #tpu.memory_space<vmem>>)
    %dma_wait3A_275 = arith.constant 6 : i32
    %dma_wait3A_276 = arith.constant 3840 : i32
    %dma_wait3A_277 = tpu.memref_slice %arg8[%dma_wait3A_276] : memref<10240xf32, #tpu.memory_space<vmem>> -> memref<640xf32, #tpu.memory_space<vmem>>
    %dma_wait3A_278 = tpu.memref_slice %arg14[%dma_wait3A_275, %mul3A_76] : memref<16x10240xf32, #tpu.memory_space<vmem_shared>> -> memref<1x640xf32, #tpu.memory_space<vmem_shared>>
    %dma_wait3A_279 = tpu.memref_squeeze %dma_wait3A_278 : memref<1x640xf32, #tpu.memory_space<vmem_shared>> -> memref<640xf32, #tpu.memory_space<vmem_shared>>
    %dma_wait3A_280 = arith.constant 3840 : i32
    %dma_wait3A_281 = tpu.memref_slice %arg8[%dma_wait3A_280] : memref<10240xf32, #tpu.memory_space<vmem>> -> memref<640xf32, #tpu.memory_space<vmem>>
    %dma_wait3A_282 = tpu.memref_slice %arg14[%dma_wait3A_275, %mul3A_76] : memref<16x10240xf32, #tpu.memory_space<vmem_shared>> -> memref<1x640xf32, #tpu.memory_space<vmem_shared>>
    %dma_wait3A_283 = tpu.memref_squeeze %dma_wait3A_282 : memref<1x640xf32, #tpu.memory_space<vmem_shared>> -> memref<640xf32, #tpu.memory_space<vmem_shared>>
    tpu.wait_dma2 semaphore(%arg15 : memref<!tpu.dma_semaphore, #tpu.memory_space<semaphore_mem>>) src(%dma_wait3A_283 : memref<640xf32, #tpu.memory_space<vmem_shared>>) dst(%dma_wait3A_281 : memref<640xf32, #tpu.memory_space<vmem>>)
    %dma_wait3A_284 = arith.constant 7 : i32
    %dma_wait3A_285 = arith.constant 4480 : i32
    %dma_wait3A_286 = tpu.memref_slice %arg8[%dma_wait3A_285] : memref<10240xf32, #tpu.memory_space<vmem>> -> memref<640xf32, #tpu.memory_space<vmem>>
    %dma_wait3A_287 = tpu.memref_slice %arg14[%dma_wait3A_284, %mul3A_76] : memref<16x10240xf32, #tpu.memory_space<vmem_shared>> -> memref<1x640xf32, #tpu.memory_space<vmem_shared>>
    %dma_wait3A_288 = tpu.memref_squeeze %dma_wait3A_287 : memref<1x640xf32, #tpu.memory_space<vmem_shared>> -> memref<640xf32, #tpu.memory_space<vmem_shared>>
    %dma_wait3A_289 = arith.constant 4480 : i32
    %dma_wait3A_290 = tpu.memref_slice %arg8[%dma_wait3A_289] : memref<10240xf32, #tpu.memory_space<vmem>> -> memref<640xf32, #tpu.memory_space<vmem>>
    %dma_wait3A_291 = tpu.memref_slice %arg14[%dma_wait3A_284, %mul3A_76] : memref<16x10240xf32, #tpu.memory_space<vmem_shared>> -> memref<1x640xf32, #tpu.memory_space<vmem_shared>>
    %dma_wait3A_292 = tpu.memref_squeeze %dma_wait3A_291 : memref<1x640xf32, #tpu.memory_space<vmem_shared>> -> memref<640xf32, #tpu.memory_space<vmem_shared>>
    tpu.wait_dma2 semaphore(%arg15 : memref<!tpu.dma_semaphore, #tpu.memory_space<semaphore_mem>>) src(%dma_wait3A_292 : memref<640xf32, #tpu.memory_space<vmem_shared>>) dst(%dma_wait3A_290 : memref<640xf32, #tpu.memory_space<vmem>>)
    %dma_wait3A_293 = arith.constant 8 : i32
    %dma_wait3A_294 = arith.constant 5120 : i32
    %dma_wait3A_295 = tpu.memref_slice %arg8[%dma_wait3A_294] : memref<10240xf32, #tpu.memory_space<vmem>> -> memref<640xf32, #tpu.memory_space<vmem>>
    %dma_wait3A_296 = tpu.memref_slice %arg14[%dma_wait3A_293, %mul3A_76] : memref<16x10240xf32, #tpu.memory_space<vmem_shared>> -> memref<1x640xf32, #tpu.memory_space<vmem_shared>>
    %dma_wait3A_297 = tpu.memref_squeeze %dma_wait3A_296 : memref<1x640xf32, #tpu.memory_space<vmem_shared>> -> memref<640xf32, #tpu.memory_space<vmem_shared>>
    %dma_wait3A_298 = arith.constant 5120 : i32
    %dma_wait3A_299 = tpu.memref_slice %arg8[%dma_wait3A_298] : memref<10240xf32, #tpu.memory_space<vmem>> -> memref<640xf32, #tpu.memory_space<vmem>>
    %dma_wait3A_300 = tpu.memref_slice %arg14[%dma_wait3A_293, %mul3A_76] : memref<16x10240xf32, #tpu.memory_space<vmem_shared>> -> memref<1x640xf32, #tpu.memory_space<vmem_shared>>
    %dma_wait3A_301 = tpu.memref_squeeze %dma_wait3A_300 : memref<1x640xf32, #tpu.memory_space<vmem_shared>> -> memref<640xf32, #tpu.memory_space<vmem_shared>>
    tpu.wait_dma2 semaphore(%arg15 : memref<!tpu.dma_semaphore, #tpu.memory_space<semaphore_mem>>) src(%dma_wait3A_301 : memref<640xf32, #tpu.memory_space<vmem_shared>>) dst(%dma_wait3A_299 : memref<640xf32, #tpu.memory_space<vmem>>)
    %dma_wait3A_302 = arith.constant 9 : i32
    %dma_wait3A_303 = arith.constant 5760 : i32
    %dma_wait3A_304 = tpu.memref_slice %arg8[%dma_wait3A_303] : memref<10240xf32, #tpu.memory_space<vmem>> -> memref<640xf32, #tpu.memory_space<vmem>>
    %dma_wait3A_305 = tpu.memref_slice %arg14[%dma_wait3A_302, %mul3A_76] : memref<16x10240xf32, #tpu.memory_space<vmem_shared>> -> memref<1x640xf32, #tpu.memory_space<vmem_shared>>
    %dma_wait3A_306 = tpu.memref_squeeze %dma_wait3A_305 : memref<1x640xf32, #tpu.memory_space<vmem_shared>> -> memref<640xf32, #tpu.memory_space<vmem_shared>>
    %dma_wait3A_307 = arith.constant 5760 : i32
    %dma_wait3A_308 = tpu.memref_slice %arg8[%dma_wait3A_307] : memref<10240xf32, #tpu.memory_space<vmem>> -> memref<640xf32, #tpu.memory_space<vmem>>
    %dma_wait3A_309 = tpu.memref_slice %arg14[%dma_wait3A_302, %mul3A_76] : memref<16x10240xf32, #tpu.memory_space<vmem_shared>> -> memref<1x640xf32, #tpu.memory_space<vmem_shared>>
    %dma_wait3A_310 = tpu.memref_squeeze %dma_wait3A_309 : memref<1x640xf32, #tpu.memory_space<vmem_shared>> -> memref<640xf32, #tpu.memory_space<vmem_shared>>
    tpu.wait_dma2 semaphore(%arg15 : memref<!tpu.dma_semaphore, #tpu.memory_space<semaphore_mem>>) src(%dma_wait3A_310 : memref<640xf32, #tpu.memory_space<vmem_shared>>) dst(%dma_wait3A_308 : memref<640xf32, #tpu.memory_space<vmem>>)
    %dma_wait3A_311 = arith.constant 10 : i32
    %dma_wait3A_312 = arith.constant 6400 : i32
    %dma_wait3A_313 = tpu.memref_slice %arg8[%dma_wait3A_312] : memref<10240xf32, #tpu.memory_space<vmem>> -> memref<640xf32, #tpu.memory_space<vmem>>
    %dma_wait3A_314 = tpu.memref_slice %arg14[%dma_wait3A_311, %mul3A_76] : memref<16x10240xf32, #tpu.memory_space<vmem_shared>> -> memref<1x640xf32, #tpu.memory_space<vmem_shared>>
    %dma_wait3A_315 = tpu.memref_squeeze %dma_wait3A_314 : memref<1x640xf32, #tpu.memory_space<vmem_shared>> -> memref<640xf32, #tpu.memory_space<vmem_shared>>
    %dma_wait3A_316 = arith.constant 6400 : i32
    %dma_wait3A_317 = tpu.memref_slice %arg8[%dma_wait3A_316] : memref<10240xf32, #tpu.memory_space<vmem>> -> memref<640xf32, #tpu.memory_space<vmem>>
    %dma_wait3A_318 = tpu.memref_slice %arg14[%dma_wait3A_311, %mul3A_76] : memref<16x10240xf32, #tpu.memory_space<vmem_shared>> -> memref<1x640xf32, #tpu.memory_space<vmem_shared>>
    %dma_wait3A_319 = tpu.memref_squeeze %dma_wait3A_318 : memref<1x640xf32, #tpu.memory_space<vmem_shared>> -> memref<640xf32, #tpu.memory_space<vmem_shared>>
    tpu.wait_dma2 semaphore(%arg15 : memref<!tpu.dma_semaphore, #tpu.memory_space<semaphore_mem>>) src(%dma_wait3A_319 : memref<640xf32, #tpu.memory_space<vmem_shared>>) dst(%dma_wait3A_317 : memref<640xf32, #tpu.memory_space<vmem>>)
    %dma_wait3A_320 = arith.constant 11 : i32
    %dma_wait3A_321 = arith.constant 7040 : i32
    %dma_wait3A_322 = tpu.memref_slice %arg8[%dma_wait3A_321] : memref<10240xf32, #tpu.memory_space<vmem>> -> memref<640xf32, #tpu.memory_space<vmem>>
    %dma_wait3A_323 = tpu.memref_slice %arg14[%dma_wait3A_320, %mul3A_76] : memref<16x10240xf32, #tpu.memory_space<vmem_shared>> -> memref<1x640xf32, #tpu.memory_space<vmem_shared>>
    %dma_wait3A_324 = tpu.memref_squeeze %dma_wait3A_323 : memref<1x640xf32, #tpu.memory_space<vmem_shared>> -> memref<640xf32, #tpu.memory_space<vmem_shared>>
    %dma_wait3A_325 = arith.constant 7040 : i32
    %dma_wait3A_326 = tpu.memref_slice %arg8[%dma_wait3A_325] : memref<10240xf32, #tpu.memory_space<vmem>> -> memref<640xf32, #tpu.memory_space<vmem>>
    %dma_wait3A_327 = tpu.memref_slice %arg14[%dma_wait3A_320, %mul3A_76] : memref<16x10240xf32, #tpu.memory_space<vmem_shared>> -> memref<1x640xf32, #tpu.memory_space<vmem_shared>>
    %dma_wait3A_328 = tpu.memref_squeeze %dma_wait3A_327 : memref<1x640xf32, #tpu.memory_space<vmem_shared>> -> memref<640xf32, #tpu.memory_space<vmem_shared>>
    tpu.wait_dma2 semaphore(%arg15 : memref<!tpu.dma_semaphore, #tpu.memory_space<semaphore_mem>>) src(%dma_wait3A_328 : memref<640xf32, #tpu.memory_space<vmem_shared>>) dst(%dma_wait3A_326 : memref<640xf32, #tpu.memory_space<vmem>>)
    %dma_wait3A_329 = arith.constant 12 : i32
    %dma_wait3A_330 = arith.constant 7680 : i32
    %dma_wait3A_331 = tpu.memref_slice %arg8[%dma_wait3A_330] : memref<10240xf32, #tpu.memory_space<vmem>> -> memref<640xf32, #tpu.memory_space<vmem>>
    %dma_wait3A_332 = tpu.memref_slice %arg14[%dma_wait3A_329, %mul3A_76] : memref<16x10240xf32, #tpu.memory_space<vmem_shared>> -> memref<1x640xf32, #tpu.memory_space<vmem_shared>>
    %dma_wait3A_333 = tpu.memref_squeeze %dma_wait3A_332 : memref<1x640xf32, #tpu.memory_space<vmem_shared>> -> memref<640xf32, #tpu.memory_space<vmem_shared>>
    %dma_wait3A_334 = arith.constant 7680 : i32
    %dma_wait3A_335 = tpu.memref_slice %arg8[%dma_wait3A_334] : memref<10240xf32, #tpu.memory_space<vmem>> -> memref<640xf32, #tpu.memory_space<vmem>>
    %dma_wait3A_336 = tpu.memref_slice %arg14[%dma_wait3A_329, %mul3A_76] : memref<16x10240xf32, #tpu.memory_space<vmem_shared>> -> memref<1x640xf32, #tpu.memory_space<vmem_shared>>
    %dma_wait3A_337 = tpu.memref_squeeze %dma_wait3A_336 : memref<1x640xf32, #tpu.memory_space<vmem_shared>> -> memref<640xf32, #tpu.memory_space<vmem_shared>>
    tpu.wait_dma2 semaphore(%arg15 : memref<!tpu.dma_semaphore, #tpu.memory_space<semaphore_mem>>) src(%dma_wait3A_337 : memref<640xf32, #tpu.memory_space<vmem_shared>>) dst(%dma_wait3A_335 : memref<640xf32, #tpu.memory_space<vmem>>)
    %dma_wait3A_338 = arith.constant 13 : i32
    %dma_wait3A_339 = arith.constant 8320 : i32
    %dma_wait3A_340 = tpu.memref_slice %arg8[%dma_wait3A_339] : memref<10240xf32, #tpu.memory_space<vmem>> -> memref<640xf32, #tpu.memory_space<vmem>>
    %dma_wait3A_341 = tpu.memref_slice %arg14[%dma_wait3A_338, %mul3A_76] : memref<16x10240xf32, #tpu.memory_space<vmem_shared>> -> memref<1x640xf32, #tpu.memory_space<vmem_shared>>
    %dma_wait3A_342 = tpu.memref_squeeze %dma_wait3A_341 : memref<1x640xf32, #tpu.memory_space<vmem_shared>> -> memref<640xf32, #tpu.memory_space<vmem_shared>>
    %dma_wait3A_343 = arith.constant 8320 : i32
    %dma_wait3A_344 = tpu.memref_slice %arg8[%dma_wait3A_343] : memref<10240xf32, #tpu.memory_space<vmem>> -> memref<640xf32, #tpu.memory_space<vmem>>
    %dma_wait3A_345 = tpu.memref_slice %arg14[%dma_wait3A_338, %mul3A_76] : memref<16x10240xf32, #tpu.memory_space<vmem_shared>> -> memref<1x640xf32, #tpu.memory_space<vmem_shared>>
    %dma_wait3A_346 = tpu.memref_squeeze %dma_wait3A_345 : memref<1x640xf32, #tpu.memory_space<vmem_shared>> -> memref<640xf32, #tpu.memory_space<vmem_shared>>
    tpu.wait_dma2 semaphore(%arg15 : memref<!tpu.dma_semaphore, #tpu.memory_space<semaphore_mem>>) src(%dma_wait3A_346 : memref<640xf32, #tpu.memory_space<vmem_shared>>) dst(%dma_wait3A_344 : memref<640xf32, #tpu.memory_space<vmem>>)
    %dma_wait3A_347 = arith.constant 14 : i32
    %dma_wait3A_348 = arith.constant 8960 : i32
    %dma_wait3A_349 = tpu.memref_slice %arg8[%dma_wait3A_348] : memref<10240xf32, #tpu.memory_space<vmem>> -> memref<640xf32, #tpu.memory_space<vmem>>
    %dma_wait3A_350 = tpu.memref_slice %arg14[%dma_wait3A_347, %mul3A_76] : memref<16x10240xf32, #tpu.memory_space<vmem_shared>> -> memref<1x640xf32, #tpu.memory_space<vmem_shared>>
    %dma_wait3A_351 = tpu.memref_squeeze %dma_wait3A_350 : memref<1x640xf32, #tpu.memory_space<vmem_shared>> -> memref<640xf32, #tpu.memory_space<vmem_shared>>
    %dma_wait3A_352 = arith.constant 8960 : i32
    %dma_wait3A_353 = tpu.memref_slice %arg8[%dma_wait3A_352] : memref<10240xf32, #tpu.memory_space<vmem>> -> memref<640xf32, #tpu.memory_space<vmem>>
    %dma_wait3A_354 = tpu.memref_slice %arg14[%dma_wait3A_347, %mul3A_76] : memref<16x10240xf32, #tpu.memory_space<vmem_shared>> -> memref<1x640xf32, #tpu.memory_space<vmem_shared>>
    %dma_wait3A_355 = tpu.memref_squeeze %dma_wait3A_354 : memref<1x640xf32, #tpu.memory_space<vmem_shared>> -> memref<640xf32, #tpu.memory_space<vmem_shared>>
    tpu.wait_dma2 semaphore(%arg15 : memref<!tpu.dma_semaphore, #tpu.memory_space<semaphore_mem>>) src(%dma_wait3A_355 : memref<640xf32, #tpu.memory_space<vmem_shared>>) dst(%dma_wait3A_353 : memref<640xf32, #tpu.memory_space<vmem>>)
    %dma_wait3A_356 = arith.constant 15 : i32
    %dma_wait3A_357 = arith.constant 9600 : i32
    %dma_wait3A_358 = tpu.memref_slice %arg8[%dma_wait3A_357] : memref<10240xf32, #tpu.memory_space<vmem>> -> memref<640xf32, #tpu.memory_space<vmem>>
    %dma_wait3A_359 = tpu.memref_slice %arg14[%dma_wait3A_356, %mul3A_76] : memref<16x10240xf32, #tpu.memory_space<vmem_shared>> -> memref<1x640xf32, #tpu.memory_space<vmem_shared>>
    %dma_wait3A_360 = tpu.memref_squeeze %dma_wait3A_359 : memref<1x640xf32, #tpu.memory_space<vmem_shared>> -> memref<640xf32, #tpu.memory_space<vmem_shared>>
    %dma_wait3A_361 = arith.constant 9600 : i32
    %dma_wait3A_362 = tpu.memref_slice %arg8[%dma_wait3A_361] : memref<10240xf32, #tpu.memory_space<vmem>> -> memref<640xf32, #tpu.memory_space<vmem>>
    %dma_wait3A_363 = tpu.memref_slice %arg14[%dma_wait3A_356, %mul3A_76] : memref<16x10240xf32, #tpu.memory_space<vmem_shared>> -> memref<1x640xf32, #tpu.memory_space<vmem_shared>>
    %dma_wait3A_364 = tpu.memref_squeeze %dma_wait3A_363 : memref<1x640xf32, #tpu.memory_space<vmem_shared>> -> memref<640xf32, #tpu.memory_space<vmem_shared>>
    tpu.wait_dma2 semaphore(%arg15 : memref<!tpu.dma_semaphore, #tpu.memory_space<semaphore_mem>>) src(%dma_wait3A_364 : memref<640xf32, #tpu.memory_space<vmem_shared>>) dst(%dma_wait3A_362 : memref<640xf32, #tpu.memory_space<vmem>>)
    %scan3A_365 = arith.constant 0 : i32
    %scan3A_366 = arith.constant 0 : i32
    %scan3A_367 = arith.constant 40 : i32
    %scan3A_368 = arith.addi %scan3A_366, %scan3A_367 : i32
    %scan3A_369 = arith.constant 1 : i32
    scf.for %scan3A_374 = %scan3A_366 to %scan3A_368 step %scan3A_369  : i32 {
      %mul3A_375 = arith.constant 16 : i32
      %mul3A_376 = arith.muli %scan3A_374, %mul3A_375 : i32
      %get3A = arith.index_cast %mul3A_376 : i32 to index
      %get3A_377 = tpu.vector_load %arg8[%get3A] {strides = array<i32>} : memref<10240xf32, #tpu.memory_space<vmem>>, vector<16xf32>,
      %add3A_378 = arith.constant 640 : i32
      %add3A_379 = arith.addi %add3A_378, %mul3A_376 : i32
      %get3A_380 = arith.index_cast %add3A_379 : i32 to index
      %get3A_381 = tpu.vector_load %arg8[%get3A_380] {strides = array<i32>} : memref<10240xf32, #tpu.memory_space<vmem>>, vector<16xf32>,
      %min3A = arith.minimumf %get3A_377, %get3A_381 : vector<16xf32>
      %add3A_382 = arith.constant 1280 : i32
      %add3A_383 = arith.addi %add3A_382, %mul3A_376 : i32
      %get3A_384 = arith.index_cast %add3A_383 : i32 to index
      %get3A_385 = tpu.vector_load %arg8[%get3A_384] {strides = array<i32>} : memref<10240xf32, #tpu.memory_space<vmem>>, vector<16xf32>,
      %min3A_386 = arith.minimumf %min3A, %get3A_385 : vector<16xf32>
      %add3A_387 = arith.constant 1920 : i32
      %add3A_388 = arith.addi %add3A_387, %mul3A_376 : i32
      %get3A_389 = arith.index_cast %add3A_388 : i32 to index
      %get3A_390 = tpu.vector_load %arg8[%get3A_389] {strides = array<i32>} : memref<10240xf32, #tpu.memory_space<vmem>>, vector<16xf32>,
      %min3A_391 = arith.minimumf %min3A_386, %get3A_390 : vector<16xf32>
      %add3A_392 = arith.constant 2560 : i32
      %add3A_393 = arith.addi %add3A_392, %mul3A_376 : i32
      %get3A_394 = arith.index_cast %add3A_393 : i32 to index
      %get3A_395 = tpu.vector_load %arg8[%get3A_394] {strides = array<i32>} : memref<10240xf32, #tpu.memory_space<vmem>>, vector<16xf32>,
      %min3A_396 = arith.minimumf %min3A_391, %get3A_395 : vector<16xf32>
      %add3A_397 = arith.constant 3200 : i32
      %add3A_398 = arith.addi %add3A_397, %mul3A_376 : i32
      %get3A_399 = arith.index_cast %add3A_398 : i32 to index
      %get3A_400 = tpu.vector_load %arg8[%get3A_399] {strides = array<i32>} : memref<10240xf32, #tpu.memory_space<vmem>>, vector<16xf32>,
      %min3A_401 = arith.minimumf %min3A_396, %get3A_400 : vector<16xf32>
      %add3A_402 = arith.constant 3840 : i32
      %add3A_403 = arith.addi %add3A_402, %mul3A_376 : i32
      %get3A_404 = arith.index_cast %add3A_403 : i32 to index
      %get3A_405 = tpu.vector_load %arg8[%get3A_404] {strides = array<i32>} : memref<10240xf32, #tpu.memory_space<vmem>>, vector<16xf32>,
      %min3A_406 = arith.minimumf %min3A_401, %get3A_405 : vector<16xf32>
      %add3A_407 = arith.constant 4480 : i32
      %add3A_408 = arith.addi %add3A_407, %mul3A_376 : i32
      %get3A_409 = arith.index_cast %add3A_408 : i32 to index
      %get3A_410 = tpu.vector_load %arg8[%get3A_409] {strides = array<i32>} : memref<10240xf32, #tpu.memory_space<vmem>>, vector<16xf32>,
      %min3A_411 = arith.minimumf %min3A_406, %get3A_410 : vector<16xf32>
      %add3A_412 = arith.constant 5120 : i32
      %add3A_413 = arith.addi %add3A_412, %mul3A_376 : i32
      %get3A_414 = arith.index_cast %add3A_413 : i32 to index
      %get3A_415 = tpu.vector_load %arg8[%get3A_414] {strides = array<i32>} : memref<10240xf32, #tpu.memory_space<vmem>>, vector<16xf32>,
      %min3A_416 = arith.minimumf %min3A_411, %get3A_415 : vector<16xf32>
      %add3A_417 = arith.constant 5760 : i32
      %add3A_418 = arith.addi %add3A_417, %mul3A_376 : i32
      %get3A_419 = arith.index_cast %add3A_418 : i32 to index
      %get3A_420 = tpu.vector_load %arg8[%get3A_419] {strides = array<i32>} : memref<10240xf32, #tpu.memory_space<vmem>>, vector<16xf32>,
      %min3A_421 = arith.minimumf %min3A_416, %get3A_420 : vector<16xf32>
      %add3A_422 = arith.constant 6400 : i32
      %add3A_423 = arith.addi %add3A_422, %mul3A_376 : i32
      %get3A_424 = arith.index_cast %add3A_423 : i32 to index
      %get3A_425 = tpu.vector_load %arg8[%get3A_424] {strides = array<i32>} : memref<10240xf32, #tpu.memory_space<vmem>>, vector<16xf32>,
      %min3A_426 = arith.minimumf %min3A_421, %get3A_425 : vector<16xf32>
      %add3A_427 = arith.constant 7040 : i32
      %add3A_428 = arith.addi %add3A_427, %mul3A_376 : i32
      %get3A_429 = arith.index_cast %add3A_428 : i32 to index
      %get3A_430 = tpu.vector_load %arg8[%get3A_429] {strides = array<i32>} : memref<10240xf32, #tpu.memory_space<vmem>>, vector<16xf32>,
      %min3A_431 = arith.minimumf %min3A_426, %get3A_430 : vector<16xf32>
      %add3A_432 = arith.constant 7680 : i32
      %add3A_433 = arith.addi %add3A_432, %mul3A_376 : i32
      %get3A_434 = arith.index_cast %add3A_433 : i32 to index
      %get3A_435 = tpu.vector_load %arg8[%get3A_434] {strides = array<i32>} : memref<10240xf32, #tpu.memory_space<vmem>>, vector<16xf32>,
      %min3A_436 = arith.minimumf %min3A_431, %get3A_435 : vector<16xf32>
      %add3A_437 = arith.constant 8320 : i32
      %add3A_438 = arith.addi %add3A_437, %mul3A_376 : i32
      %get3A_439 = arith.index_cast %add3A_438 : i32 to index
      %get3A_440 = tpu.vector_load %arg8[%get3A_439] {strides = array<i32>} : memref<10240xf32, #tpu.memory_space<vmem>>, vector<16xf32>,
      %min3A_441 = arith.minimumf %min3A_436, %get3A_440 : vector<16xf32>
      %add3A_442 = arith.constant 8960 : i32
      %add3A_443 = arith.addi %add3A_442, %mul3A_376 : i32
      %get3A_444 = arith.index_cast %add3A_443 : i32 to index
      %get3A_445 = tpu.vector_load %arg8[%get3A_444] {strides = array<i32>} : memref<10240xf32, #tpu.memory_space<vmem>>, vector<16xf32>,
      %min3A_446 = arith.minimumf %min3A_441, %get3A_445 : vector<16xf32>
      %add3A_447 = arith.constant 9600 : i32
      %add3A_448 = arith.addi %add3A_447, %mul3A_376 : i32
      %get3A_449 = arith.index_cast %add3A_448 : i32 to index
      %get3A_450 = tpu.vector_load %arg8[%get3A_449] {strides = array<i32>} : memref<10240xf32, #tpu.memory_space<vmem>>, vector<16xf32>,
      %min3A_451 = arith.minimumf %min3A_446, %get3A_450 : vector<16xf32>
      %add3A_452 = arith.addi %mul3A_76, %mul3A_376 : i32
      %swap3A = arith.index_cast %add3A_452 : i32 to index
      %swap3A_453 = tpu.vector_load %arg9[%swap3A] {strides = array<i32>} : memref<10240xf32, #tpu.memory_space<vmem>>, vector<16xf32>,
      tpu.vector_store %arg9[%swap3A], %min3A_451 {strides = array<i32>} : memref<10240xf32, #tpu.memory_space<vmem>>, vector<16xf32>,
    }
    %scan3A_370 = arith.constant 40 : i32
    %mul3A_371 = arith.constant 10240 : i32
    %mul3A_372 = arith.muli %arg0, %mul3A_371 : i32
    %add3A_373 = arith.addi %mul3A_372, %mul3A_76 : i32
    "tpu.region"() ({
      %run_scoped3A = tpu.sem_alloc : memref<!tpu.dma_semaphore, #tpu.memory_space<semaphore_mem>>
      %dma_start3A_374 = tpu.memref_slice %arg9[%mul3A_76] : memref<10240xf32, #tpu.memory_space<vmem>> -> memref<640xf32, #tpu.memory_space<vmem>>
      %dma_start3A_375 = tpu.memref_slice %arg5[%add3A_373] : memref<20480xf32, #tpu.memory_space<hbm>> -> memref<640xf32, #tpu.memory_space<hbm>>
      %dma_start3A_376 = tpu.memref_slice %arg5[%add3A_373] : memref<20480xf32, #tpu.memory_space<hbm>> -> memref<640xf32, #tpu.memory_space<hbm>>
      %dma_start3A_377 = tpu.memref_slice %arg9[%mul3A_76] : memref<10240xf32, #tpu.memory_space<vmem>> -> memref<640xf32, #tpu.memory_space<vmem>>
      tpu.enqueue_dma source(%dma_start3A_377 : memref<640xf32, #tpu.memory_space<vmem>>) target(%dma_start3A_376 : memref<640xf32, #tpu.memory_space<hbm>>) target_semaphore(%run_scoped3A : memref<!tpu.dma_semaphore, #tpu.memory_space<semaphore_mem>>)
      %dma_wait3A_378 = tpu.memref_slice %arg9[%mul3A_76] : memref<10240xf32, #tpu.memory_space<vmem>> -> memref<640xf32, #tpu.memory_space<vmem>>
      %dma_wait3A_379 = tpu.memref_slice %arg5[%add3A_373] : memref<20480xf32, #tpu.memory_space<hbm>> -> memref<640xf32, #tpu.memory_space<hbm>>
      %dma_wait3A_380 = tpu.memref_slice %arg5[%add3A_373] : memref<20480xf32, #tpu.memory_space<hbm>> -> memref<640xf32, #tpu.memory_space<hbm>>
      %dma_wait3A_381 = tpu.memref_slice %arg9[%mul3A_76] : memref<10240xf32, #tpu.memory_space<vmem>> -> memref<640xf32, #tpu.memory_space<vmem>>
      tpu.wait_dma2 semaphore(%run_scoped3A : memref<!tpu.dma_semaphore, #tpu.memory_space<semaphore_mem>>) src(%dma_wait3A_381 : memref<640xf32, #tpu.memory_space<vmem>>) dst(%dma_wait3A_380 : memref<640xf32, #tpu.memory_space<hbm>>)
      tpu.yield
    }) : () -> ()
    return
  }
}

#map = affine_map<(d0, d1) -> (0)>
module attributes {stable_mosaic.version = 14 : i64} {
  func.func @k2(%arg0: i32, %arg1: i32, %arg2: memref<20480xf32, #tpu.memory_space<hbm>>, %arg3: memref<320000xi32, #tpu.memory_space<hbm>>, %arg4: memref<161280xf32, #tpu.memory_space<hbm>>, %arg5: memref<158720xf32, #tpu.memory_space<hbm>>, %arg6: memref<320000xf32, #tpu.memory_space<hbm>>, %arg7: memref<10240xf32, #tpu.memory_space<vmem>>, %arg8: memref<10240xf32, #tpu.memory_space<vmem>>, %arg9: memref<10000xi32, #tpu.memory_space<vmem>>, %arg10: memref<10000xf32, #tpu.memory_space<vmem>>, %arg11: memref<10000xf32, #tpu.memory_space<vmem>>, %arg12: memref<!tpu.dma_semaphore, #tpu.memory_space<semaphore_mem>>, %arg13: memref<!tpu.dma_semaphore, #tpu.memory_space<semaphore_mem>>) attributes {dimension_semantics = [#tpu.dimension_semantics<core_parallel>, #tpu.dimension_semantics<subcore_parallel>], iteration_bounds = array<i64: 2, 16>, scalar_prefetch = 0 : i64, scratch_operands = 7 : i64, tpu.core_type = #tpu.core_type<sc_vector_subcore>, window_params = [{transform_indices = #map}, {transform_indices = #map}, {transform_indices = #map}, {transform_indices = #map}, {transform_indices = #map}]} {
    %mul3A = arith.constant 16 : i32
    %mul3A_0 = arith.muli %arg0, %mul3A : i32
    %add3A = arith.addi %mul3A_0, %arg1 : i32
    %dma_start3A = arith.constant 0 : i32
    %dma_start3A_1 = tpu.memref_slice %arg2[%dma_start3A] : memref<20480xf32, #tpu.memory_space<hbm>> -> memref<10240xf32, #tpu.memory_space<hbm>>
    %dma_start3A_2 = arith.constant 0 : i32
    %dma_start3A_3 = tpu.memref_slice %arg2[%dma_start3A_2] : memref<20480xf32, #tpu.memory_space<hbm>> -> memref<10240xf32, #tpu.memory_space<hbm>>
    tpu.enqueue_dma source(%dma_start3A_3 : memref<10240xf32, #tpu.memory_space<hbm>>) target(%arg7 : memref<10240xf32, #tpu.memory_space<vmem>>) target_semaphore(%arg12 : memref<!tpu.dma_semaphore, #tpu.memory_space<semaphore_mem>>)
    %dma_start3A_4 = arith.constant 10240 : i32
    %dma_start3A_5 = tpu.memref_slice %arg2[%dma_start3A_4] : memref<20480xf32, #tpu.memory_space<hbm>> -> memref<10240xf32, #tpu.memory_space<hbm>>
    %dma_start3A_6 = arith.constant 10240 : i32
    %dma_start3A_7 = tpu.memref_slice %arg2[%dma_start3A_6] : memref<20480xf32, #tpu.memory_space<hbm>> -> memref<10240xf32, #tpu.memory_space<hbm>>
    tpu.enqueue_dma source(%dma_start3A_7 : memref<10240xf32, #tpu.memory_space<hbm>>) target(%arg8 : memref<10240xf32, #tpu.memory_space<vmem>>) target_semaphore(%arg12 : memref<!tpu.dma_semaphore, #tpu.memory_space<semaphore_mem>>)
    %mul3A_8 = arith.constant 5040 : i32
    %mul3A_9 = arith.muli %add3A, %mul3A_8 : i32
    %dma_start3A_10 = arith.constant 0 : i32
    %dma_start3A_11 = tpu.memref_slice %arg9[%dma_start3A_10] : memref<10000xi32, #tpu.memory_space<vmem>> -> memref<5040xi32, #tpu.memory_space<vmem>>
    %dma_start3A_12 = tpu.memref_slice %arg3[%mul3A_9] : memref<320000xi32, #tpu.memory_space<hbm>> -> memref<5040xi32, #tpu.memory_space<hbm>>
    %dma_start3A_13 = arith.constant 0 : i32
    %dma_start3A_14 = tpu.memref_slice %arg9[%dma_start3A_13] : memref<10000xi32, #tpu.memory_space<vmem>> -> memref<5040xi32, #tpu.memory_space<vmem>>
    %dma_start3A_15 = tpu.memref_slice %arg3[%mul3A_9] : memref<320000xi32, #tpu.memory_space<hbm>> -> memref<5040xi32, #tpu.memory_space<hbm>>
    tpu.enqueue_dma source(%dma_start3A_15 : memref<5040xi32, #tpu.memory_space<hbm>>) target(%dma_start3A_14 : memref<5040xi32, #tpu.memory_space<vmem>>) target_semaphore(%arg13 : memref<!tpu.dma_semaphore, #tpu.memory_space<semaphore_mem>>)
    %mul3A_16 = arith.constant 4960 : i32
    %mul3A_17 = arith.muli %add3A, %mul3A_16 : i32
    %add3A_18 = arith.constant 161280 : i32
    %add3A_19 = arith.addi %add3A_18, %mul3A_17 : i32
    %dma_start3A_20 = arith.constant 5040 : i32
    %dma_start3A_21 = tpu.memref_slice %arg9[%dma_start3A_20] : memref<10000xi32, #tpu.memory_space<vmem>> -> memref<4960xi32, #tpu.memory_space<vmem>>
    %dma_start3A_22 = tpu.memref_slice %arg3[%add3A_19] : memref<320000xi32, #tpu.memory_space<hbm>> -> memref<4960xi32, #tpu.memory_space<hbm>>
    %dma_start3A_23 = arith.constant 5040 : i32
    %dma_start3A_24 = tpu.memref_slice %arg9[%dma_start3A_23] : memref<10000xi32, #tpu.memory_space<vmem>> -> memref<4960xi32, #tpu.memory_space<vmem>>
    %dma_start3A_25 = tpu.memref_slice %arg3[%add3A_19] : memref<320000xi32, #tpu.memory_space<hbm>> -> memref<4960xi32, #tpu.memory_space<hbm>>
    tpu.enqueue_dma source(%dma_start3A_25 : memref<4960xi32, #tpu.memory_space<hbm>>) target(%dma_start3A_24 : memref<4960xi32, #tpu.memory_space<vmem>>) target_semaphore(%arg13 : memref<!tpu.dma_semaphore, #tpu.memory_space<semaphore_mem>>)
    %mul3A_26 = arith.constant 5040 : i32
    %mul3A_27 = arith.muli %add3A, %mul3A_26 : i32
    %dma_start3A_28 = arith.constant 0 : i32
    %dma_start3A_29 = tpu.memref_slice %arg10[%dma_start3A_28] : memref<10000xf32, #tpu.memory_space<vmem>> -> memref<5040xf32, #tpu.memory_space<vmem>>
    %dma_start3A_30 = tpu.memref_slice %arg4[%mul3A_27] : memref<161280xf32, #tpu.memory_space<hbm>> -> memref<5040xf32, #tpu.memory_space<hbm>>
    %dma_start3A_31 = arith.constant 0 : i32
    %dma_start3A_32 = tpu.memref_slice %arg10[%dma_start3A_31] : memref<10000xf32, #tpu.memory_space<vmem>> -> memref<5040xf32, #tpu.memory_space<vmem>>
    %dma_start3A_33 = tpu.memref_slice %arg4[%mul3A_27] : memref<161280xf32, #tpu.memory_space<hbm>> -> memref<5040xf32, #tpu.memory_space<hbm>>
    tpu.enqueue_dma source(%dma_start3A_33 : memref<5040xf32, #tpu.memory_space<hbm>>) target(%dma_start3A_32 : memref<5040xf32, #tpu.memory_space<vmem>>) target_semaphore(%arg13 : memref<!tpu.dma_semaphore, #tpu.memory_space<semaphore_mem>>)
    %mul3A_34 = arith.constant 4960 : i32
    %mul3A_35 = arith.muli %add3A, %mul3A_34 : i32
    %dma_start3A_36 = arith.constant 5040 : i32
    %dma_start3A_37 = tpu.memref_slice %arg10[%dma_start3A_36] : memref<10000xf32, #tpu.memory_space<vmem>> -> memref<4960xf32, #tpu.memory_space<vmem>>
    %dma_start3A_38 = tpu.memref_slice %arg5[%mul3A_35] : memref<158720xf32, #tpu.memory_space<hbm>> -> memref<4960xf32, #tpu.memory_space<hbm>>
    %dma_start3A_39 = arith.constant 5040 : i32
    %dma_start3A_40 = tpu.memref_slice %arg10[%dma_start3A_39] : memref<10000xf32, #tpu.memory_space<vmem>> -> memref<4960xf32, #tpu.memory_space<vmem>>
    %dma_start3A_41 = tpu.memref_slice %arg5[%mul3A_35] : memref<158720xf32, #tpu.memory_space<hbm>> -> memref<4960xf32, #tpu.memory_space<hbm>>
    tpu.enqueue_dma source(%dma_start3A_41 : memref<4960xf32, #tpu.memory_space<hbm>>) target(%dma_start3A_40 : memref<4960xf32, #tpu.memory_space<vmem>>) target_semaphore(%arg13 : memref<!tpu.dma_semaphore, #tpu.memory_space<semaphore_mem>>)
    %dma_wait3A = arith.constant 0 : i32
    %dma_wait3A_42 = tpu.memref_slice %arg2[%dma_wait3A] : memref<20480xf32, #tpu.memory_space<hbm>> -> memref<10240xf32, #tpu.memory_space<hbm>>
    %dma_wait3A_43 = arith.constant 0 : i32
    %dma_wait3A_44 = tpu.memref_slice %arg2[%dma_wait3A_43] : memref<20480xf32, #tpu.memory_space<hbm>> -> memref<10240xf32, #tpu.memory_space<hbm>>
    tpu.wait_dma2 semaphore(%arg12 : memref<!tpu.dma_semaphore, #tpu.memory_space<semaphore_mem>>) src(%dma_wait3A_44 : memref<10240xf32, #tpu.memory_space<hbm>>) dst(%arg7 : memref<10240xf32, #tpu.memory_space<vmem>>)
    %dma_wait3A_45 = arith.constant 10240 : i32
    %dma_wait3A_46 = tpu.memref_slice %arg2[%dma_wait3A_45] : memref<20480xf32, #tpu.memory_space<hbm>> -> memref<10240xf32, #tpu.memory_space<hbm>>
    %dma_wait3A_47 = arith.constant 10240 : i32
    %dma_wait3A_48 = tpu.memref_slice %arg2[%dma_wait3A_47] : memref<20480xf32, #tpu.memory_space<hbm>> -> memref<10240xf32, #tpu.memory_space<hbm>>
    tpu.wait_dma2 semaphore(%arg12 : memref<!tpu.dma_semaphore, #tpu.memory_space<semaphore_mem>>) src(%dma_wait3A_48 : memref<10240xf32, #tpu.memory_space<hbm>>) dst(%arg8 : memref<10240xf32, #tpu.memory_space<vmem>>)
    %dma_wait3A_49 = arith.constant 0 : i32
    %dma_wait3A_50 = tpu.memref_slice %arg9[%dma_wait3A_49] : memref<10000xi32, #tpu.memory_space<vmem>> -> memref<5040xi32, #tpu.memory_space<vmem>>
    %dma_wait3A_51 = tpu.memref_slice %arg3[%mul3A_9] : memref<320000xi32, #tpu.memory_space<hbm>> -> memref<5040xi32, #tpu.memory_space<hbm>>
    %dma_wait3A_52 = arith.constant 0 : i32
    %dma_wait3A_53 = tpu.memref_slice %arg9[%dma_wait3A_52] : memref<10000xi32, #tpu.memory_space<vmem>> -> memref<5040xi32, #tpu.memory_space<vmem>>
    %dma_wait3A_54 = tpu.memref_slice %arg3[%mul3A_9] : memref<320000xi32, #tpu.memory_space<hbm>> -> memref<5040xi32, #tpu.memory_space<hbm>>
    tpu.wait_dma2 semaphore(%arg13 : memref<!tpu.dma_semaphore, #tpu.memory_space<semaphore_mem>>) src(%dma_wait3A_54 : memref<5040xi32, #tpu.memory_space<hbm>>) dst(%dma_wait3A_53 : memref<5040xi32, #tpu.memory_space<vmem>>)
    %dma_wait3A_55 = arith.constant 5040 : i32
    %dma_wait3A_56 = tpu.memref_slice %arg9[%dma_wait3A_55] : memref<10000xi32, #tpu.memory_space<vmem>> -> memref<4960xi32, #tpu.memory_space<vmem>>
    %dma_wait3A_57 = tpu.memref_slice %arg3[%add3A_19] : memref<320000xi32, #tpu.memory_space<hbm>> -> memref<4960xi32, #tpu.memory_space<hbm>>
    %dma_wait3A_58 = arith.constant 5040 : i32
    %dma_wait3A_59 = tpu.memref_slice %arg9[%dma_wait3A_58] : memref<10000xi32, #tpu.memory_space<vmem>> -> memref<4960xi32, #tpu.memory_space<vmem>>
    %dma_wait3A_60 = tpu.memref_slice %arg3[%add3A_19] : memref<320000xi32, #tpu.memory_space<hbm>> -> memref<4960xi32, #tpu.memory_space<hbm>>
    tpu.wait_dma2 semaphore(%arg13 : memref<!tpu.dma_semaphore, #tpu.memory_space<semaphore_mem>>) src(%dma_wait3A_60 : memref<4960xi32, #tpu.memory_space<hbm>>) dst(%dma_wait3A_59 : memref<4960xi32, #tpu.memory_space<vmem>>)
    %dma_wait3A_61 = arith.constant 0 : i32
    %dma_wait3A_62 = tpu.memref_slice %arg10[%dma_wait3A_61] : memref<10000xf32, #tpu.memory_space<vmem>> -> memref<5040xf32, #tpu.memory_space<vmem>>
    %dma_wait3A_63 = tpu.memref_slice %arg4[%mul3A_27] : memref<161280xf32, #tpu.memory_space<hbm>> -> memref<5040xf32, #tpu.memory_space<hbm>>
    %dma_wait3A_64 = arith.constant 0 : i32
    %dma_wait3A_65 = tpu.memref_slice %arg10[%dma_wait3A_64] : memref<10000xf32, #tpu.memory_space<vmem>> -> memref<5040xf32, #tpu.memory_space<vmem>>
    %dma_wait3A_66 = tpu.memref_slice %arg4[%mul3A_27] : memref<161280xf32, #tpu.memory_space<hbm>> -> memref<5040xf32, #tpu.memory_space<hbm>>
    tpu.wait_dma2 semaphore(%arg13 : memref<!tpu.dma_semaphore, #tpu.memory_space<semaphore_mem>>) src(%dma_wait3A_66 : memref<5040xf32, #tpu.memory_space<hbm>>) dst(%dma_wait3A_65 : memref<5040xf32, #tpu.memory_space<vmem>>)
    %dma_wait3A_67 = arith.constant 5040 : i32
    %dma_wait3A_68 = tpu.memref_slice %arg10[%dma_wait3A_67] : memref<10000xf32, #tpu.memory_space<vmem>> -> memref<4960xf32, #tpu.memory_space<vmem>>
    %dma_wait3A_69 = tpu.memref_slice %arg5[%mul3A_35] : memref<158720xf32, #tpu.memory_space<hbm>> -> memref<4960xf32, #tpu.memory_space<hbm>>
    %dma_wait3A_70 = arith.constant 5040 : i32
    %dma_wait3A_71 = tpu.memref_slice %arg10[%dma_wait3A_70] : memref<10000xf32, #tpu.memory_space<vmem>> -> memref<4960xf32, #tpu.memory_space<vmem>>
    %dma_wait3A_72 = tpu.memref_slice %arg5[%mul3A_35] : memref<158720xf32, #tpu.memory_space<hbm>> -> memref<4960xf32, #tpu.memory_space<hbm>>
    tpu.wait_dma2 semaphore(%arg13 : memref<!tpu.dma_semaphore, #tpu.memory_space<semaphore_mem>>) src(%dma_wait3A_72 : memref<4960xf32, #tpu.memory_space<hbm>>) dst(%dma_wait3A_71 : memref<4960xf32, #tpu.memory_space<vmem>>)
    %scan3A = arith.constant 0 : i32
    %scan3A_73 = arith.constant 0 : i32
    %scan3A_74 = arith.constant 125 : i32
    %scan3A_75 = arith.addi %scan3A_73, %scan3A_74 : i32
    %scan3A_76 = arith.constant 1 : i32
    scf.for %scan3A_84 = %scan3A_73 to %scan3A_75 step %scan3A_76  : i32 {
      %mul3A_85 = arith.constant 5 : i32
      %mul3A_86 = arith.muli %scan3A_84, %mul3A_85 : i32
      %mul3A_87 = arith.constant 16 : i32
      %mul3A_88 = arith.muli %mul3A_86, %mul3A_87 : i32
      %add3A_89 = arith.constant 0 : i32
      %add3A_90 = arith.addi %mul3A_88, %add3A_89 : i32
      %get3A = arith.index_cast %add3A_90 : i32 to index
      %get3A_91 = tpu.vector_load %arg9[%get3A] {strides = array<i32>} : memref<10000xi32, #tpu.memory_space<vmem>>, vector<16xi32>,
      %add3A_92 = arith.constant 16 : i32
      %add3A_93 = arith.addi %mul3A_88, %add3A_92 : i32
      %get3A_94 = arith.index_cast %add3A_93 : i32 to index
      %get3A_95 = tpu.vector_load %arg9[%get3A_94] {strides = array<i32>} : memref<10000xi32, #tpu.memory_space<vmem>>, vector<16xi32>,
      %add3A_96 = arith.constant 32 : i32
      %add3A_97 = arith.addi %mul3A_88, %add3A_96 : i32
      %get3A_98 = arith.index_cast %add3A_97 : i32 to index
      %get3A_99 = tpu.vector_load %arg9[%get3A_98] {strides = array<i32>} : memref<10000xi32, #tpu.memory_space<vmem>>, vector<16xi32>,
      %add3A_100 = arith.constant 48 : i32
      %add3A_101 = arith.addi %mul3A_88, %add3A_100 : i32
      %get3A_102 = arith.index_cast %add3A_101 : i32 to index
      %get3A_103 = tpu.vector_load %arg9[%get3A_102] {strides = array<i32>} : memref<10000xi32, #tpu.memory_space<vmem>>, vector<16xi32>,
      %add3A_104 = arith.constant 64 : i32
      %add3A_105 = arith.addi %mul3A_88, %add3A_104 : i32
      %get3A_106 = arith.index_cast %add3A_105 : i32 to index
      %get3A_107 = tpu.vector_load %arg9[%get3A_106] {strides = array<i32>} : memref<10000xi32, #tpu.memory_space<vmem>>, vector<16xi32>,
      %add3A_108 = arith.constant 0 : i32
      %add3A_109 = arith.addi %mul3A_88, %add3A_108 : i32
      %get3A_110 = arith.index_cast %add3A_109 : i32 to index
      %get3A_111 = tpu.vector_load %arg10[%get3A_110] {strides = array<i32>} : memref<10000xf32, #tpu.memory_space<vmem>>, vector<16xf32>,
      %add3A_112 = arith.constant 16 : i32
      %add3A_113 = arith.addi %mul3A_88, %add3A_112 : i32
      %get3A_114 = arith.index_cast %add3A_113 : i32 to index
      %get3A_115 = tpu.vector_load %arg10[%get3A_114] {strides = array<i32>} : memref<10000xf32, #tpu.memory_space<vmem>>, vector<16xf32>,
      %add3A_116 = arith.constant 32 : i32
      %add3A_117 = arith.addi %mul3A_88, %add3A_116 : i32
      %get3A_118 = arith.index_cast %add3A_117 : i32 to index
      %get3A_119 = tpu.vector_load %arg10[%get3A_118] {strides = array<i32>} : memref<10000xf32, #tpu.memory_space<vmem>>, vector<16xf32>,
      %add3A_120 = arith.constant 48 : i32
      %add3A_121 = arith.addi %mul3A_88, %add3A_120 : i32
      %get3A_122 = arith.index_cast %add3A_121 : i32 to index
      %get3A_123 = tpu.vector_load %arg10[%get3A_122] {strides = array<i32>} : memref<10000xf32, #tpu.memory_space<vmem>>, vector<16xf32>,
      %add3A_124 = arith.constant 64 : i32
      %add3A_125 = arith.addi %mul3A_88, %add3A_124 : i32
      %get3A_126 = arith.index_cast %add3A_125 : i32 to index
      %get3A_127 = tpu.vector_load %arg10[%get3A_126] {strides = array<i32>} : memref<10000xf32, #tpu.memory_space<vmem>>, vector<16xf32>,
      %gather3A = tpu.vector_load_idx %arg7[%get3A_91] : memref<10240xf32, #tpu.memory_space<vmem>>[vector<16xi32>], vector<16xf32>,
      %gather3A_128 = tpu.vector_load_idx %arg7[%get3A_95] : memref<10240xf32, #tpu.memory_space<vmem>>[vector<16xi32>], vector<16xf32>,
      %gather3A_129 = tpu.vector_load_idx %arg7[%get3A_99] : memref<10240xf32, #tpu.memory_space<vmem>>[vector<16xi32>], vector<16xf32>,
      %gather3A_130 = tpu.vector_load_idx %arg7[%get3A_103] : memref<10240xf32, #tpu.memory_space<vmem>>[vector<16xi32>], vector<16xf32>,
      %gather3A_131 = tpu.vector_load_idx %arg7[%get3A_107] : memref<10240xf32, #tpu.memory_space<vmem>>[vector<16xi32>], vector<16xf32>,
      %gather3A_132 = tpu.vector_load_idx %arg8[%get3A_91] : memref<10240xf32, #tpu.memory_space<vmem>>[vector<16xi32>], vector<16xf32>,
      %gather3A_133 = tpu.vector_load_idx %arg8[%get3A_95] : memref<10240xf32, #tpu.memory_space<vmem>>[vector<16xi32>], vector<16xf32>,
      %gather3A_134 = tpu.vector_load_idx %arg8[%get3A_99] : memref<10240xf32, #tpu.memory_space<vmem>>[vector<16xi32>], vector<16xf32>,
      %gather3A_135 = tpu.vector_load_idx %arg8[%get3A_103] : memref<10240xf32, #tpu.memory_space<vmem>>[vector<16xi32>], vector<16xf32>,
      %gather3A_136 = tpu.vector_load_idx %arg8[%get3A_107] : memref<10240xf32, #tpu.memory_space<vmem>>[vector<16xi32>], vector<16xf32>,
      %min3A = arith.minimumf %gather3A, %gather3A_132 : vector<16xf32>
      %div3A = arith.divf %get3A_111, %min3A : vector<16xf32>
      %sub3A = arith.constant 2.500000e-01 : f32
      %sub3A_137 = vector.broadcast %sub3A : f32 to vector<16xf32>
      %sub3A_138 = arith.subf %div3A, %sub3A_137 : vector<16xf32>
      %max3A = arith.constant 0.000000e+00 : f32
      %max3A_139 = vector.broadcast %max3A : f32 to vector<16xf32>
      %max3A_140 = arith.maximumf %sub3A_138, %max3A_139 : vector<16xf32>
      %add3A_141 = arith.constant 0 : i32
      %add3A_142 = arith.addi %mul3A_88, %add3A_141 : i32
      %swap3A = arith.index_cast %add3A_142 : i32 to index
      %swap3A_143 = tpu.vector_load %arg11[%swap3A] {strides = array<i32>} : memref<10000xf32, #tpu.memory_space<vmem>>, vector<16xf32>,
      tpu.vector_store %arg11[%swap3A], %max3A_140 {strides = array<i32>} : memref<10000xf32, #tpu.memory_space<vmem>>, vector<16xf32>,
      %min3A_144 = arith.minimumf %gather3A_128, %gather3A_133 : vector<16xf32>
      %div3A_145 = arith.divf %get3A_115, %min3A_144 : vector<16xf32>
      %sub3A_146 = arith.constant 2.500000e-01 : f32
      %sub3A_147 = vector.broadcast %sub3A_146 : f32 to vector<16xf32>
      %sub3A_148 = arith.subf %div3A_145, %sub3A_147 : vector<16xf32>
      %max3A_149 = arith.constant 0.000000e+00 : f32
      %max3A_150 = vector.broadcast %max3A_149 : f32 to vector<16xf32>
      %max3A_151 = arith.maximumf %sub3A_148, %max3A_150 : vector<16xf32>
      %add3A_152 = arith.constant 16 : i32
      %add3A_153 = arith.addi %mul3A_88, %add3A_152 : i32
      %swap3A_154 = arith.index_cast %add3A_153 : i32 to index
      %swap3A_155 = tpu.vector_load %arg11[%swap3A_154] {strides = array<i32>} : memref<10000xf32, #tpu.memory_space<vmem>>, vector<16xf32>,
      tpu.vector_store %arg11[%swap3A_154], %max3A_151 {strides = array<i32>} : memref<10000xf32, #tpu.memory_space<vmem>>, vector<16xf32>,
      %min3A_156 = arith.minimumf %gather3A_129, %gather3A_134 : vector<16xf32>
      %div3A_157 = arith.divf %get3A_119, %min3A_156 : vector<16xf32>
      %sub3A_158 = arith.constant 2.500000e-01 : f32
      %sub3A_159 = vector.broadcast %sub3A_158 : f32 to vector<16xf32>
      %sub3A_160 = arith.subf %div3A_157, %sub3A_159 : vector<16xf32>
      %max3A_161 = arith.constant 0.000000e+00 : f32
      %max3A_162 = vector.broadcast %max3A_161 : f32 to vector<16xf32>
      %max3A_163 = arith.maximumf %sub3A_160, %max3A_162 : vector<16xf32>
      %add3A_164 = arith.constant 32 : i32
      %add3A_165 = arith.addi %mul3A_88, %add3A_164 : i32
      %swap3A_166 = arith.index_cast %add3A_165 : i32 to index
      %swap3A_167 = tpu.vector_load %arg11[%swap3A_166] {strides = array<i32>} : memref<10000xf32, #tpu.memory_space<vmem>>, vector<16xf32>,
      tpu.vector_store %arg11[%swap3A_166], %max3A_163 {strides = array<i32>} : memref<10000xf32, #tpu.memory_space<vmem>>, vector<16xf32>,
      %min3A_168 = arith.minimumf %gather3A_130, %gather3A_135 : vector<16xf32>
      %div3A_169 = arith.divf %get3A_123, %min3A_168 : vector<16xf32>
      %sub3A_170 = arith.constant 2.500000e-01 : f32
      %sub3A_171 = vector.broadcast %sub3A_170 : f32 to vector<16xf32>
      %sub3A_172 = arith.subf %div3A_169, %sub3A_171 : vector<16xf32>
      %max3A_173 = arith.constant 0.000000e+00 : f32
      %max3A_174 = vector.broadcast %max3A_173 : f32 to vector<16xf32>
      %max3A_175 = arith.maximumf %sub3A_172, %max3A_174 : vector<16xf32>
      %add3A_176 = arith.constant 48 : i32
      %add3A_177 = arith.addi %mul3A_88, %add3A_176 : i32
      %swap3A_178 = arith.index_cast %add3A_177 : i32 to index
      %swap3A_179 = tpu.vector_load %arg11[%swap3A_178] {strides = array<i32>} : memref<10000xf32, #tpu.memory_space<vmem>>, vector<16xf32>,
      tpu.vector_store %arg11[%swap3A_178], %max3A_175 {strides = array<i32>} : memref<10000xf32, #tpu.memory_space<vmem>>, vector<16xf32>,
      %min3A_180 = arith.minimumf %gather3A_131, %gather3A_136 : vector<16xf32>
      %div3A_181 = arith.divf %get3A_127, %min3A_180 : vector<16xf32>
      %sub3A_182 = arith.constant 2.500000e-01 : f32
      %sub3A_183 = vector.broadcast %sub3A_182 : f32 to vector<16xf32>
      %sub3A_184 = arith.subf %div3A_181, %sub3A_183 : vector<16xf32>
      %max3A_185 = arith.constant 0.000000e+00 : f32
      %max3A_186 = vector.broadcast %max3A_185 : f32 to vector<16xf32>
      %max3A_187 = arith.maximumf %sub3A_184, %max3A_186 : vector<16xf32>
      %add3A_188 = arith.constant 64 : i32
      %add3A_189 = arith.addi %mul3A_88, %add3A_188 : i32
      %swap3A_190 = arith.index_cast %add3A_189 : i32 to index
      %swap3A_191 = tpu.vector_load %arg11[%swap3A_190] {strides = array<i32>} : memref<10000xf32, #tpu.memory_space<vmem>>, vector<16xf32>,
      tpu.vector_store %arg11[%swap3A_190], %max3A_187 {strides = array<i32>} : memref<10000xf32, #tpu.memory_space<vmem>>, vector<16xf32>,
    }
    %scan3A_77 = arith.constant 125 : i32
    %mul3A_78 = arith.constant 5040 : i32
    %mul3A_79 = arith.muli %add3A, %mul3A_78 : i32
    "tpu.region"() ({
      %run_scoped3A = tpu.sem_alloc : memref<!tpu.dma_semaphore, #tpu.memory_space<semaphore_mem>>
      %dma_start3A_84 = arith.constant 0 : i32
      %dma_start3A_85 = tpu.memref_slice %arg11[%dma_start3A_84] : memref<10000xf32, #tpu.memory_space<vmem>> -> memref<5040xf32, #tpu.memory_space<vmem>>
      %dma_start3A_86 = tpu.memref_slice %arg6[%mul3A_79] : memref<320000xf32, #tpu.memory_space<hbm>> -> memref<5040xf32, #tpu.memory_space<hbm>>
      %dma_start3A_87 = tpu.memref_slice %arg6[%mul3A_79] : memref<320000xf32, #tpu.memory_space<hbm>> -> memref<5040xf32, #tpu.memory_space<hbm>>
      %dma_start3A_88 = arith.constant 0 : i32
      %dma_start3A_89 = tpu.memref_slice %arg11[%dma_start3A_88] : memref<10000xf32, #tpu.memory_space<vmem>> -> memref<5040xf32, #tpu.memory_space<vmem>>
      tpu.enqueue_dma source(%dma_start3A_89 : memref<5040xf32, #tpu.memory_space<vmem>>) target(%dma_start3A_87 : memref<5040xf32, #tpu.memory_space<hbm>>) target_semaphore(%run_scoped3A : memref<!tpu.dma_semaphore, #tpu.memory_space<semaphore_mem>>)
      %dma_wait3A_90 = arith.constant 0 : i32
      %dma_wait3A_91 = tpu.memref_slice %arg11[%dma_wait3A_90] : memref<10000xf32, #tpu.memory_space<vmem>> -> memref<5040xf32, #tpu.memory_space<vmem>>
      %dma_wait3A_92 = tpu.memref_slice %arg6[%mul3A_79] : memref<320000xf32, #tpu.memory_space<hbm>> -> memref<5040xf32, #tpu.memory_space<hbm>>
      %dma_wait3A_93 = tpu.memref_slice %arg6[%mul3A_79] : memref<320000xf32, #tpu.memory_space<hbm>> -> memref<5040xf32, #tpu.memory_space<hbm>>
      %dma_wait3A_94 = arith.constant 0 : i32
      %dma_wait3A_95 = tpu.memref_slice %arg11[%dma_wait3A_94] : memref<10000xf32, #tpu.memory_space<vmem>> -> memref<5040xf32, #tpu.memory_space<vmem>>
      tpu.wait_dma2 semaphore(%run_scoped3A : memref<!tpu.dma_semaphore, #tpu.memory_space<semaphore_mem>>) src(%dma_wait3A_95 : memref<5040xf32, #tpu.memory_space<vmem>>) dst(%dma_wait3A_93 : memref<5040xf32, #tpu.memory_space<hbm>>)
      tpu.yield
    }) : () -> ()
    %mul3A_80 = arith.constant 4960 : i32
    %mul3A_81 = arith.muli %add3A, %mul3A_80 : i32
    %add3A_82 = arith.constant 161280 : i32
    %add3A_83 = arith.addi %add3A_82, %mul3A_81 : i32
    "tpu.region"() ({
      %run_scoped3A = tpu.sem_alloc : memref<!tpu.dma_semaphore, #tpu.memory_space<semaphore_mem>>
      %dma_start3A_84 = arith.constant 5040 : i32
      %dma_start3A_85 = tpu.memref_slice %arg11[%dma_start3A_84] : memref<10000xf32, #tpu.memory_space<vmem>> -> memref<4960xf32, #tpu.memory_space<vmem>>
      %dma_start3A_86 = tpu.memref_slice %arg6[%add3A_83] : memref<320000xf32, #tpu.memory_space<hbm>> -> memref<4960xf32, #tpu.memory_space<hbm>>
      %dma_start3A_87 = tpu.memref_slice %arg6[%add3A_83] : memref<320000xf32, #tpu.memory_space<hbm>> -> memref<4960xf32, #tpu.memory_space<hbm>>
      %dma_start3A_88 = arith.constant 5040 : i32
      %dma_start3A_89 = tpu.memref_slice %arg11[%dma_start3A_88] : memref<10000xf32, #tpu.memory_space<vmem>> -> memref<4960xf32, #tpu.memory_space<vmem>>
      tpu.enqueue_dma source(%dma_start3A_89 : memref<4960xf32, #tpu.memory_space<vmem>>) target(%dma_start3A_87 : memref<4960xf32, #tpu.memory_space<hbm>>) target_semaphore(%run_scoped3A : memref<!tpu.dma_semaphore, #tpu.memory_space<semaphore_mem>>)
      %dma_wait3A_90 = arith.constant 5040 : i32
      %dma_wait3A_91 = tpu.memref_slice %arg11[%dma_wait3A_90] : memref<10000xf32, #tpu.memory_space<vmem>> -> memref<4960xf32, #tpu.memory_space<vmem>>
      %dma_wait3A_92 = tpu.memref_slice %arg6[%add3A_83] : memref<320000xf32, #tpu.memory_space<hbm>> -> memref<4960xf32, #tpu.memory_space<hbm>>
      %dma_wait3A_93 = tpu.memref_slice %arg6[%add3A_83] : memref<320000xf32, #tpu.memory_space<hbm>> -> memref<4960xf32, #tpu.memory_space<hbm>>
      %dma_wait3A_94 = arith.constant 5040 : i32
      %dma_wait3A_95 = tpu.memref_slice %arg11[%dma_wait3A_94] : memref<10000xf32, #tpu.memory_space<vmem>> -> memref<4960xf32, #tpu.memory_space<vmem>>
      tpu.wait_dma2 semaphore(%run_scoped3A : memref<!tpu.dma_semaphore, #tpu.memory_space<semaphore_mem>>) src(%dma_wait3A_95 : memref<4960xf32, #tpu.memory_space<vmem>>) dst(%dma_wait3A_93 : memref<4960xf32, #tpu.memory_space<hbm>>)
      tpu.yield
    }) : () -> ()
    return
  }
}

module attributes {stable_mosaic.version = 14 : i64} {
  func.func @_row0_body(%arg0: memref<2x320000xi32, #tpu.memory_space<vmem>>, %arg1: memref<320000xi32, #tpu.memory_space<vmem>>) attributes {dimension_semantics = [], scalar_prefetch = 0 : i64, scratch_operands = 0 : i64, tpu.core_type = #tpu.core_type<tc>} {
    %get3A = arith.constant 0 : index
    %get3A_0 = arith.constant 0 : index
    %get3A_1 = vector.load %arg0[%get3A, %get3A_0] : memref<2x320000xi32, #tpu.memory_space<vmem>>, vector<1x320000xi32>
    %get3A_2 = vector.shape_cast %get3A_1 : vector<1x320000xi32> to vector<320000xi32>
    %swap3A = arith.constant 0 : index
    %swap3A_3 = vector.load %arg1[%swap3A] : memref<320000xi32, #tpu.memory_space<vmem>>, vector<320000xi32>
    tpu.vector_store %arg1[%swap3A], %get3A_2 {strides = array<i32>} : memref<320000xi32, #tpu.memory_space<vmem>>, vector<320000xi32>,
    return
  }
}

</mosaic_0001>

<sc_bundles>
// kernel: _segmin_edge_update.5.cloned.1.call-start
scs
__scs_entry_jumppad:
0x0: {  	(pc) =	sbr.rel $0x88, $3  }
0x1: {  	(tag) =	ssettag $0x0;
	lr =	simm.s32 $0x1  }
0x2: {  	[smem:$0x3F9F] =	sst lr;
	_ =	strace $0xD0000000  }
0x3: {  	_ = 	snop  }
0x4: {  	_ = 	snop  }
0x5: {  	_ = 	snop  }
0x6: {  	_ = 	snop  }
0x7: {  	_ = 	snop  }
__scs_overlays_trampoline_lowered:
0x8: {  	[smem:$0x3FAE] =	sst s0  }
0x9: {  	[smem:$0x3FAF] =	sst s1  }
0xa: {  	[smem:$0x3FB0] =	sst s2  }
0xb: {  	[smem:$0x3FB1] =	sst s3  }
0xc: {  	[smem:$0x3FB2] =	sst s4  }
0xd: {  	[smem:$0x3FB3] =	sst s5  }
0xe: {  	[smem:$0x3FB4] =	sst s6  }
0xf: {  	[smem:$0x3FB5] =	sst s7  }
0x10: {  	[smem:$0x3FB6] =	sst s8  }
0x11: {  	[smem:$0x3FB7] =	sst s9;
	s0 =	simm.s32 @!p0 $0x0  }
0x12: {  	s1 =	sld [smem:$0x3F9D];
	s0 =	simm.s32 @p0 $0x1  }
0x13: {  	[smem:$0x3FB8] =	sst s0;
	s0 =	simm.s32 @!p1 $0x0  }
0x14: {  	s2 =	sld [smem:$0x3F9C];
	s0 =	simm.s32 @p1 $0x1  }
0x15: {  	[smem:$0x3FB9] =	sst s0;
	s0 =	simm.s32 @!p2 $0x0  }
0x16: {  	s3 =	sld [smem:$0x3FDB];
	s0 =	simm.s32 @p2 $0x1  }
0x17: {  	s4 =	simm.s32 $0x1BF5;
	[smem:$0x3FBB] =	sst s0  }
0x18: {  	s0 =	sld [smem:$0x3F9E];
	_ =	swait.ge [sflag:s4], $0x0  }
0x19: {  	s7 =	sld [smem:$0x3F9F]  }
0x1a: {  	s8 =	sadd.s32 $0xFFFFE003, lr  }
0x1b: {  	s9 =	sadd.s32 $0xFFFFFEF7, lr;
	s5 =	simm.s32 $0xFFFFFFFF;
	p2 =	slt.u32 s8, $0xFFFFF086  }
0x1c: {  	p1 =	slt.u32 s9, $0xF7A;
	s5 =	simm.s32 @!p2 $0x0  }
0x1d: {  	s5 =	simm.s32 @p1 $0x1;
	p0 =	seq.s32 s7, s2  }
0x1e: {  	s7 =	smul.u32 @!p0 $0xF7A, s2;
	p2 =	seq.s32 @!p0 s5, $0x0  }
0x1f: {  	s9 =	smul.u32 $0xF7A, s1;
	s8 =	simm.s32 @!p0 $0x1BF5;
	p2 =	por !p2, p0  }
0x20: {  	[sflag:s8] =	ssyncset.s32 @!p0 $0xFFFFF086;
	s6 =	sadd.s32 @!p0 s3, s7;
	s7 =	simm.s32 @!p0 $0x108  }
0x21: {  	s3 =	sadd.s32 s3, s9;
	s6 =	sadd.s32 @!p0 $0x88, s6;
	s7 =	simm.s32 @p2 $0x1082  }
0x22: {  	[simem:s7], [sflag:s8] =	dma.local @!p0 [hbm:s6], $0xF7A  }
0x23: {  	s9 =	sor.u32 $0xD0000000, s2;
	s6 =	simm.s32 $0x108;
	_ =	swait.ge @!p0 [sflag:s8], $0x0  }
0x24: {  	s3 =	sadd.s32 $0x88, s3;
	s6 =	simm.s32 @!p1 $0x1082;
	[sflag:s4] =	ssyncset.s32 $0xFFFFF086  }
0x25: {  	[simem:s6], [sflag:s4] =	dma.local [hbm:s3], $0xF7A  }
0x26: {  	[smem:$0x3F9F] =	sst s1;
	(tag) =	ssettag s2;
	_ =	strace s9  }
0x27: {  	s1 =	sld [smem:$0x3FAF]  }
0x28: {  	s2 =	sld [smem:$0x3FB0]  }
0x29: {  	s4 =	sld [smem:$0x3FB2]  }
0x2a: {  	p0 =	seq.s32 s5, $0x0;
	s5 =	sld [smem:$0x3FB3]  }
0x2b: {  	s6 =	sld [smem:$0x3FB4]  }
0x2c: {  	s7 =	sld [smem:$0x3FB5]  }
0x2d: {  	s3 =	simm.s32 $0x108;
	s8 =	sld [smem:$0x3FB6]  }
0x2e: {  	s3 =	simm.s32 @!p0 $0x1082;
	s9 =	sld [smem:$0x3FB7]  }
0x2f: {  	lr =	sadd.s32 s0, s3;
	s0 =	sld [smem:$0x3FAE]  }
0x30: {  	s3 =	sld [smem:$0x3FB1]  }
0x31: {  	[smem:$0x3FBA] =	sst s10  }
0x32: {  	s10 =	sld [smem:$0x3FB8];
	_ =	sdelay $0x3  }
0x33: {  	p0 =	seq.s32 s10, $0x1;
	s10 =	sld [smem:$0x3FBA];
	_ =	sdelay $0x3  }
0x34: {  	[smem:$0x3FBA] =	sst s10  }
0x35: {  	s10 =	sld [smem:$0x3FB9];
	_ =	sdelay $0x3  }
0x36: {  	p1 =	seq.s32 s10, $0x1;
	s10 =	sld [smem:$0x3FBA];
	_ =	sdelay $0x3  }
0x37: {  	[smem:$0x3FBA] =	sst s10  }
0x38: {  	s10 =	sld [smem:$0x3FBB]  }
0x39: {  	_ = 	snop;
	(pc) =	sbr.ind lr, $3  }
0x3a: {  	_ = 	snop  }
0x3b: {  	_ = 	snop  }
0x3c: {  	p2 =	seq.s32 s10, $0x1;
	s10 =	sld [smem:$0x3FBA]  }
0x3d: {  	_ =	shalt  }
0x3e: {  	_ =	shalt  }
0x3f: {  	_ =	shalt  }
0x40: {  	_ =	shalt  }
0x41: {  	_ =	shalt  }
0x42: {  	_ =	shalt  }
0x43: {  	_ =	shalt  }
0x44: {  	_ =	shalt  }
0x45: {  	_ =	shalt  }
0x46: {  	_ =	shalt  }
0x47: {  	_ =	shalt  }
0x48: {  	_ =	shalt  }
0x49: {  	_ =	shalt  }
0x4a: {  	_ =	shalt  }
0x4b: {  	_ =	shalt  }
0x4c: {  	_ =	shalt  }
0x4d: {  	_ =	shalt  }
0x4e: {  	_ =	shalt  }
0x4f: {  	_ =	shalt  }
0x50: {  	_ =	shalt  }
0x51: {  	_ =	shalt  }
0x52: {  	_ =	shalt  }
0x53: {  	_ =	shalt  }
0x54: {  	_ =	shalt  }
0x55: {  	_ =	shalt  }
0x56: {  	_ =	shalt  }
0x57: {  	_ =	shalt  }
0x58: {  	_ =	shalt  }
0x59: {  	_ =	shalt  }
0x5a: {  	_ =	shalt  }
0x5b: {  	_ =	shalt  }
0x5c: {  	_ =	shalt  }
0x5d: {  	_ =	shalt  }
0x5e: {  	_ =	shalt  }
0x5f: {  	_ =	shalt  }
0x60: {  	_ =	shalt  }
0x61: {  	_ =	shalt  }
0x62: {  	_ =	shalt  }
0x63: {  	_ =	shalt  }
0x64: {  	_ =	shalt  }
0x65: {  	_ =	shalt  }
0x66: {  	_ =	shalt  }
0x67: {  	_ =	shalt  }
0x68: {  	_ =	shalt  }
0x69: {  	_ =	shalt  }
0x6a: {  	_ =	shalt  }
0x6b: {  	_ =	shalt  }
0x6c: {  	_ =	shalt  }
0x6d: {  	_ =	shalt  }
0x6e: {  	_ =	shalt  }
0x6f: {  	_ =	shalt  }
0x70: {  	_ =	shalt  }
0x71: {  	_ =	shalt  }
0x72: {  	_ =	shalt  }
0x73: {  	_ =	shalt  }
0x74: {  	_ =	shalt  }
0x75: {  	_ =	shalt  }
0x76: {  	_ =	shalt  }
0x77: {  	_ =	shalt  }
0x78: {  	_ =	shalt  }
0x79: {  	_ =	shalt  }
0x7a: {  	_ =	shalt  }
0x7b: {  	_ =	shalt  }
0x7c: {  	_ =	shalt  }
0x7d: {  	_ =	shalt  }
0x7e: {  	_ =	shalt  }
0x7f: {  	_ =	shalt  }
0x80: {  	_ =	shalt  }
0x81: {  	_ =	shalt  }
0x82: {  	_ =	shalt  }
0x83: {  	_ =	shalt  }
0x84: {  	_ =	shalt  }
0x85: {  	_ =	shalt  }
0x86: {  	_ =	shalt  }
0x87: {  	_ =	shalt  }
.Lfunc_end0:
.L_simem_size_0:
called_computation_lowered:
.L_overlay_start_0:
0x88: {  	s2 =	sld [smem:$0x3FD9]  }
0x89: {  	s3 =	sld [smem:$0x3FFE];
	_ =	sdelay $0x1  }
0x8a: {  	s1 =	srdreg.scid  }
0x8b: {  	s0 =	sand.u32 $0x1, s1  }
0x8c: {  	s16 =	sshll.u32 s0, $0xA;
	s2 =	sadd.s32 s3, s2  }
0x8d: {  	s2 =	sadd.s32 s2, s16  }
0x8e: {  	[smem:$0x3FC6] =	sst s2  }
0x8f: {  	_ = 	snop  }
0x90: {  	(tm) =	ssettm $0x1  }
0x91: {  	s17 =	sld [smem:$0x3FFB];
	_ =	sdelay $0x3  }
0x92: {  	_ =	strace s17  }
0x93: {  	s2 =	sld [smem:$0x3FFC];
	_ =	sdelay $0x3  }
0x94: {  	_ =	strace s2  }
0x95: {  	s2 =	sld [smem:$0x3FFD];
	_ =	sdelay $0x3  }
0x96: {  	_ =	strace s2  }
0x97: {  	_ =	strace $0x8FFFFFFF  }
0x98: {  	s18 =	sld [smem:$0x3FDB];
	_ =	sdelay $0x1  }
0x99: {  	s19 =	simm.s32 $_scs_section_size  }
0x9a: {  	s4 =	simm.s32 $_size__tile_overlayer_lowered;
	s5 =	simm.s32 $_tile_overlayer_lowered  }
0x9b: {  	s22 =	simm.s32 $0x1BFF;
	s21 =	sshll.u32 s5, $0x1;
	s2 =	sadd.s32 s19, s18  }
0x9c: {  	s6 =	simm.s32 $0x0;
	s20 =	sshll.u32 s4, $0x1;
	s4 =	sadd.s32 s21, s2  }
0x9d: {  	[timem:s6], [sflag:s22] =	dma.local [hbm:s4], s20  }
0x9e: {  	_ =	swait.ge [sflag:s22], s20  }
0x9f: {  	s3 =	ssub.s32 $0x0, s20;
	[sflag:s22] =	ssyncset.done $0x0  }
0xa0: {  	[sflag:s22] =	ssyncadd.s32 s3;
	_ =	sdelay $0x1  }
0xa1: {  	s23 =	simm.s32 $0x1B8B  }
0xa2: {  	_ =	swait.ge [sflag:s23], $0x1  }
0xa3: {  	[sflag:s23] =	ssyncset.done $0x0  }
0xa4: {  	s25 =	simm.s32 $0x1B8E;
	s24 =	sld [smem:$0x3FFE];
	[sflag:s23] =	ssyncadd.s32 $0xFFFFFFFF  }
0xa5: {  	s26 =	simm.s32 $execute0_lowered;
	[smem:$0x3FD2] =	sst s25  }
0xa6: {  	s4 =	sshll.u32 s26, $0x1;
	_ =	strace $0x80000046;
	[dreg:$0x1] =	wrdreg $0xFFFFFFFF  }
0xa7: {  	s28 =	simm.s32 $_size_execute0_lowered;
	s2 =	sadd.s32 s2, s4;
	[dreg:$0x0] =	wrdreg $0x0  }
0xa8: {  	s4 =	sshll.u32 s28, $0x1;
	[dreg:$0x2] =	wrdreg s2  }
0xa9: {  	[dreg:$0x3] =	wrdreg s4  }
0xaa: {  	[dreg:$0x4] =	wrdreg $0xC0  }
0xab: {  	_ =	task [dreg:s6], $0x5FFFF  }
0xac: {  	[dreg:$0x1] =	wrdreg $0xFFFFFFFF  }
0xad: {  	[dreg:$0x0] =	wrdreg $0x60  }
0xae: {  	[dreg:$0x2] =	wrdreg s24  }
0xaf: {  	[dreg:$0x3] =	wrdreg $0x13F000  }
0xb0: {  	[dreg:$0x4] =	wrdreg $0x9  }
0xb1: {  	_ =	task.clear_ibuf [dreg:s6], $0x5FFFF;
	_ =	strace $0x90000046  }
0xb2: {  	s29 =	simm.s32 $0x9;
	_ =	strace $0x80000048  }
0xb3: {  	_ =	swait.ge [sflag:s29], $0x1  }
0xb4: {  	[sflag:s29] =	ssyncadd.s32 $0xFFFFFFFF  }
0xb5: {  	_ =	strace $0x90000048  }
0xb6: {  	_ =	sfence  }
0xb7: {  	s30 =	sld [smem:$0x0];
	_ =	sdelay $0x2  }
0xb8: {  	s31 =	sshll.u32 s1, $0xD;
	s1 =	sshrl.u32 s1, $0x2  }
0xb9: {  	s3 =	sand.u32 $0x4000, s31;
	s1 =	sadd.s32 s1, s30  }
0xba: {  	s0 =	sor.u32 s3, s0;
	s1 =	sshll.u32 s1, $0x11  }
0xbb: {  	s0 =	sor.u32 s1, s0  }
0xbc: {  	s0 =	sadd.s32 $0x8F2B, s0  }
0xbd: {  	[sflag:s0] =	ssyncadd.remote.s32 $0x1  }
0xbe: {  	_ =	sfence.sel $0xFFFF  }
0xbf: {  	[dreg:$0x0] =	wrdreg $0xFFFFFFFF;
	(pc) =	sbr.abs _section_cstart, $3  }
0xc0: {  	[dreg:$0x1] =	wrdreg $0xFFFFFFFF  }
0xc1: {  	_ =	task.clear_ibuf [dreg:s6], $0x2FFFF;
	_ =	strace $0x9FFFFFFF  }
0xc2: {  	(tm) =	ssettm $0x7FFFFFFF  }
0xc3: {  	_ =	shalt  }
tec
execute0_lowered:
.L_overlay_start_1:
0x0: {  	(tag) =	ssettag $0x1  }
0x1: {  	s0 =	srdreg.scid;
	s4 =	rddreg [dreg:$0x0]  }
0x2: {  	s12 =	stileid.u32;
	s6 =	rddreg [dreg:$0x1]  }
0x3: {  	s2 =	simm.s32 $0x0;
	s29 =	simm.s32 $0x4F00;
	s30 =	simm.s32 $0x7700  }
0x4: {  	s31 =	simm.s32 $0x9F00;
	s0 =	sand.u32 $0x1, s0;
	s3 =	smul.u32 $0x280, s12  }
0x5: {  	[smem:$0x7FF] =	sst s2;
	s8 =	sadd.s32 $0xA600, s4;
	s18 =	smul.u32 $0x5000, s12  }
0x6: {  	s11 =	sshrl.u32 s12, $0x3;
	s1 =	sshll.u32 s0, $0x4;
	s7 =	smul.u32 $0x2800, s0  }
0x7: {  	s20 =	sshll.u32 s12, $0x7;
	s17 =	smul.u32 $0x50000, s11;
	s1 =	sor.u32 s12, s1  }
0x8: {  	_ =	strace $0x80000047;
	s0 =	ssub.s32 $0x2, s0;
	s5 =	smul.u32 $0x276, s1  }
0x9: {  	s16 =	sshrl.u32 s0, $0x1;
	s1 =	smul.u32 $0x1360, s1;
	s7 =	sadd.s32 s3, s7  }
0xa: {  	s28 =	sadd.s32 $0x7700, s3;
	s0 =	ssub.s32 s0, s16;
	s7 =	sshrl.u32 s7, $0x3  }
0xb: {  	s9 =	sadd.s32 s5, s4;
	s1 =	sshrl.u32 s1, $0x3;
	s5 =	sadd.s32 s8, s5  }
0xc: {  	s10 =	sadd.s32 s1, s4;
	s4 =	sadd.s32 s7, s4;
	s1 =	sadd.s32 s8, s1  }
0xd: {  	[dreg:$0x3] =	wrdreg s5;
	s19 =	sadd.s32 $0x5600, s9;
	s7 =	sshrl.u32 s17, $0x2  }
0xe: {  	s5 =	sand.u32 $0x380, s20;
	s8 =	simm.s32 $0x3;
	s1 =	sadd.s32 $0x4EC0, s1  }
0xf: {  	[dreg:$0x5] =	wrdreg s19;
	s7 =	sadd.s32 s7, s6;
	s21 =	sadd.s32 $0x800, s10  }
0x10: {  	s10 =	simm.s32 $0x0;
	[dreg:$0x4] =	wrdreg s1;
	s1 =	sshrl.u32 s18, $0x2  }
0x11: {  	[dreg:$0x6] =	wrdreg s21;
	s5 =	sadd.s32 s5, s7;
	s7 =	simm.s32 $0x400  }
0x12: {  	[dreg:$0x7] =	wrdreg s5;
	s9 =	sadd.s32 s1, s6;
	s5 =	simm.s32 $0xEF00  }
0x13: {  	s6 =	simm.s32 $0x80;
	s1 =	sadd.s32 $0x80, s9;
	s22 =	sadd.s32 $0x100, s9  }
0x14: {  	s23 =	sadd.s32 $0x180, s9;
	s24 =	sadd.s32 $0x200, s9;
	[dreg:$0x8] =	wrdreg s1  }
0x15: {  	s25 =	sadd.s32 $0x280, s9;
	s26 =	sadd.s32 $0x300, s9;
	[dreg:$0x9] =	wrdreg s22  }
0x16: {  	s16 =	sadd.s32 $0x380, s9;
	s17 =	sadd.s32 $0x14000, s9;
	[dreg:$0xa] =	wrdreg s23  }
0x17: {  	s18 =	sadd.s32 $0x14080, s9;
	s19 =	sadd.s32 $0x14100, s9;
	[dreg:$0xb] =	wrdreg s24  }
0x18: {  	s20 =	sadd.s32 $0x14180, s9;
	s21 =	sadd.s32 $0x14200, s9;
	[dreg:$0xc] =	wrdreg s25  }
0x19: {  	[dreg:$0xd] =	wrdreg s26;
	s22 =	sadd.s32 $0x14280, s9;
	s23 =	sadd.s32 $0x14300, s9  }
0x1a: {  	s24 =	sadd.s32 $0x14400, s4;
	s25 =	smax.u32 s0, $0x1;
	s26 =	sadd.s32 $0x14380, s9  }
0x1b: {  	v0 =	vimm.f32 $+Inf;
	v1 =	vimm.f32 $0.0e+00;
	s1 =	simm.s32 $0x1;
	s0 =	simm.s32 $0x2;
	s4 =	simm.s32 $0xC700  }
.LBB2_1:
0x1c: {  	s11 =	rddreg [dreg:$0x3]  }
0x1d: {  	s15 =	rddreg [dreg:$0x4]  }
0x1e: {  	[tilespmem:s2], [sflag:$0x1] =	stream.linear.gather [hbm4b:s11+s2], $0x13B0, $0x38;
	[tilespmem:$0x16700] =	vst v63  }
0x1f: {  	s12 =	simm.s32 $0x13B0;
	s14 =	rddreg [dreg:$0x6]  }
0x20: {  	[tilespmem:s12], [sflag:$0x1] =	stream.linear.gather [hbm4b:s15+s2], $0x1360, $0x38;
	[tilespmem:$0x16700] =	vst v63  }
0x21: {  	s13 =	simm.s32 $0x2780;
	s12 =	rddreg [dreg:$0x5]  }
0x22: {  	[tilespmem:s13], [sflag:$0x2] =	stream.linear.gather [hbm4b:s12+s2], $0x13B0, $0x38;
	[tilespmem:$0x16700] =	vst v63  }
0x23: {  	s11 =	simm.s32 $0x0;
	s15 =	simm.s32 $0x3B30;
	s12 =	simm.s32 $0x40  }
0x24: {  	[tilespmem:s15], [sflag:$0x2] =	stream.linear.gather [hbm4b:s14+s2], $0x1360, $0x38;
	[tilespmem:$0x16700] =	vst v63  }
.LBB2_2:
0x25: {  	p0 =	sne.s32 s12, $0x9FC0;
	[tilespmem:s11+$0xEF00] =	vst v0;
	s13 =	smov.u32 s12;
	s12 =	sadd.s32 $0x40, s12  }
.Ltmp0:
0x26: {  	[tilespmem:s11+$0xC700] =	vst v0;
	(pc) =	sbr.rel @p0 .LBB2_2-.Ltmp0, $4  }
0x27: {  	[tilespmem:s11+$0x9F00] =	vst v0  }
0x28: {  	[tilespmem:s11+$0x4F00] =	vst v0  }
0x29: {  	[tilespmem:s11+$0x7700] =	vst v0  }
0x2a: {  	s11 =	sshra.s32 s13, $0x2  }
0x2b: {  	[tilespmem:s11+$0xEF00] =	vst v0  }
0x2c: {  	[tilespmem:s11+$0xC700] =	vst v0  }
0x2d: {  	[tilespmem:s11+$0x9F00] =	vst v0  }
0x2e: {  	[tilespmem:s11+$0x4F00] =	vst v0  }
0x2f: {  	[tilespmem:s11+$0x7700] =	vst v0  }
0x30: {  	_ =	swait.ge [sflag:s1], $0x13B0  }
0x31: {  	[sflag:s1] =	ssyncset.done $0x0  }
0x32: {  	[sflag:s1] =	ssyncadd.s32 $0xFFFFEC50  }
0x33: {  	_ =	swait.ge [sflag:s1], $0x1360  }
0x34: {  	[sflag:s1] =	ssyncset.done $0x0  }
0x35: {  	[sflag:s1] =	ssyncadd.s32 $0xFFFFECA0  }
0x36: {  	_ =	swait.ge [sflag:s0], $0x13B0  }
.Ltmp1:
0x37: {  	[sflag:s0] =	ssyncset.done $0x0;
	(pc) =	sbr.rel .LBB2_4-.Ltmp1, $4  }
0x38: {  	[sflag:s0] =	ssyncadd.s32 $0xFFFFEC50  }
0x39: {  	_ =	swait.ge [sflag:s0], $0x1360  }
0x3a: {  	[sflag:s0] =	ssyncset.done $0x0  }
0x3b: {  	s11 =	simm.s32 $0x0;
	[sflag:s0] =	ssyncadd.s32 $0xFFFFECA0  }
.LBB2_11:
0x3c: {  	s11 =	sadd.s32 $0x1, s11  }
0x3d: {  	p0 =	sne.s32 s11, $0x7D  }
.Ltmp2:
0x3e: {  	_ = 	snop;
	(pc) =	sbr.rel @!p0 .LBB2_12-.Ltmp2, $1  }
0x3f: {  	_ =	sdelay $0x3  }
.LBB2_4:
0x40: {  	s12 =	smul.u32 $0x50, s11;
	_ =	sdelay $0x1  }
0x41: {  	v12 =	vld [tilespmem:s12+$0x0]  }
0x42: {  	v9 =	vld [tilespmem:s12+$0x10]  }
0x43: {  	v6 =	vld [tilespmem:s12+$0x20]  }
0x44: {  	v4 =	vld [tilespmem:s12+$0x30]  }
0x45: {  	v2 =	vld [tilespmem:s12+$0x40]  }
0x46: {  	v14 =	vld [tilespmem:s12+$0x2780]  }
0x47: {  	v11 =	vld [tilespmem:s12+$0x2790]  }
0x48: {  	v8 =	vld [tilespmem:s12+$0x27A0]  }
0x49: {  	v5 =	vld [tilespmem:s12+$0x27B0]  }
0x4a: {  	v3 =	vld [tilespmem:s12+$0x27C0]  }
0x4b: {  	v7 =	vld.idx.msk [tilespmem:v12+s29+$0x0], $0xffff  }
0x4c: {  	v10 =	vld.idx.msk [tilespmem:v9+s30+$0x0], $0xffff  }
0x4d: {  	v13 =	vld.idx.msk [tilespmem:v6+s31+$0x0], $0xffff  }
0x4e: {  	v15 =	vld.idx.msk [tilespmem:v4+s4+$0x0], $0xffff  }
0x4f: {  	v16 =	vld.idx.msk [tilespmem:v2+s5+$0x0], $0xffff  }
0x50: {  	vm0 =	vlt.f32 v14, v7  }
0x51: {  	vm1 =	vlt.f32 v11, v10  }
0x52: {  	vm2 =	vlt.f32 v8, v13  }
0x53: {  	vm3 =	vlt.f32 v5, v15  }
0x54: {  	vm4 =	vlt.f32 v3, v16;
	_ =	sdelay $0x1  }
0x55: {  	[tilespmem:v12+s29+$0x0] =	vst.idx.msk vm0, v14  }
0x56: {  	[tilespmem:v9+s30+$0x0] =	vst.idx.msk vm1, v11  }
0x57: {  	[tilespmem:v6+s31+$0x0] =	vst.idx.msk vm2, v8  }
0x58: {  	[tilespmem:v4+s4+$0x0] =	vst.idx.msk vm3, v5  }
0x59: {  	[tilespmem:v2+s5+$0x0] =	vst.idx.msk vm4, v3  }
0x5a: {  	v16 =	vld.idx.msk [tilespmem:v12+s29+$0x0], $0xffff  }
0x5b: {  	v15 =	vld.idx.msk [tilespmem:v9+s30+$0x0], $0xffff  }
0x5c: {  	v13 =	vld.idx.msk [tilespmem:v6+s31+$0x0], $0xffff  }
0x5d: {  	v10 =	vld.idx.msk [tilespmem:v4+s4+$0x0], $0xffff  }
0x5e: {  	v7 =	vld.idx.msk [tilespmem:v2+s5+$0x0], $0xffff;
	_ =	sdelay $0x1  }
0x5f: {  	vm4 =	vlt.f32 v14, v16;
	vm3 =	vlt.f32 v11, v15  }
0x60: {  	vm2 =	vlt.f32 v8, v13;
	vm0 =	vmor vm4, vm3  }
0x61: {  	vm1 =	vlt.f32 v5, v10;
	vm5 =	vmor vm0, vm2  }
0x62: {  	vm0 =	vlt.f32 v3, v7;
	vm5 =	vmor vm5, vm1  }
0x63: {  	vm5 =	vmor vm5, vm0  }
0x64: {  	v17 =	vsel vm5, $0x3F800000, v1  }
0x65: {  	(xrf0) =	vmax.scan.msk.f32 $0xffff, v17;
	_ =	sdelay $0x5  }
0x66: {  	v17, _, _ =	vpop (xrf0)  }
0x67: {  	(v2sf) =	vpush v17, $0xF;
	_ =	sdelay $0xe  }
0x68: {  	s15 =	spop (v2sf)  }
0x69: {  	p0 =	sgt.f32 s15, $0.0e+00  }
.Ltmp3:
0x6a: {  	_ = 	snop;
	(pc) =	sbr.rel @!p0 .LBB2_11-.Ltmp3, $1  }
0x6b: {  	_ =	sdelay $0x3  }
0x6c: {  	vm5 =	vlt.f32 v14, v16  }
0x6d: {  	v16 =	vsel vm5, $0x3F800000, v1  }
0x6e: {  	(xrf0) =	vmax.scan.msk.f32 $0xffff, v16;
	_ =	sdelay $0x5  }
0x6f: {  	v16, _, _ =	vpop (xrf0)  }
0x70: {  	(v2sf) =	vpush v16, $0xF;
	_ =	sdelay $0xe  }
0x71: {  	s12 =	spop (v2sf)  }
0x72: {  	p0 =	sgt.f32 s12, $0.0e+00  }
.Ltmp4:
0x73: {  	_ = 	snop;
	(pc) =	sbr.rel @!p0 .LBB2_6-.Ltmp4, $1  }
0x74: {  	_ =	sdelay $0x3  }
.LBB2_18:
0x75: {  	[tilespmem:v12+s29+$0x0] =	vst.idx.msk vm4, v14  }
0x76: {  	v16 =	vld.idx.msk [tilespmem:v12+s29+$0x0], $0xffff;
	_ =	sdelay $0x4  }
0x77: {  	vm5 =	vlt.f32 v14, v16  }
0x78: {  	vm4 =	vmand vm4, vm5  }
0x79: {  	v16 =	vsel vm4, $0x3F800000, v1  }
0x7a: {  	(xrf0) =	vmax.scan.msk.f32 $0xffff, v16;
	_ =	sdelay $0x5  }
0x7b: {  	v16, _, _ =	vpop (xrf0)  }
0x7c: {  	(v2sf) =	vpush v16, $0xF;
	_ =	sdelay $0xe  }
0x7d: {  	s12 =	spop (v2sf)  }
0x7e: {  	p0 =	sgt.f32 s12, $0.0e+00  }
.Ltmp5:
0x7f: {  	_ = 	snop;
	(pc) =	sbr.rel @p0 .LBB2_18-.Ltmp5, $1  }
0x80: {  	_ =	sdelay $0x3  }
.LBB2_6:
0x81: {  	vm4 =	vlt.f32 v11, v15  }
0x82: {  	v12 =	vsel vm4, $0x3F800000, v1  }
0x83: {  	(xrf0) =	vmax.scan.msk.f32 $0xffff, v12;
	_ =	sdelay $0x5  }
0x84: {  	v12, _, _ =	vpop (xrf0)  }
0x85: {  	(v2sf) =	vpush v12, $0xF;
	_ =	sdelay $0xe  }
0x86: {  	s12 =	spop (v2sf)  }
0x87: {  	p0 =	sgt.f32 s12, $0.0e+00  }
.Ltmp6:
0x88: {  	_ = 	snop;
	(pc) =	sbr.rel @!p0 .LBB2_7-.Ltmp6, $1  }
0x89: {  	_ =	sdelay $0x3  }
.LBB2_19:
0x8a: {  	[tilespmem:v9+s30+$0x0] =	vst.idx.msk vm3, v11  }
0x8b: {  	v12 =	vld.idx.msk [tilespmem:v9+s30+$0x0], $0xffff;
	_ =	sdelay $0x4  }
0x8c: {  	vm4 =	vlt.f32 v11, v12  }
0x8d: {  	vm3 =	vmand vm3, vm4  }
0x8e: {  	v12 =	vsel vm3, $0x3F800000, v1  }
0x8f: {  	(xrf0) =	vmax.scan.msk.f32 $0xffff, v12;
	_ =	sdelay $0x5  }
0x90: {  	v12, _, _ =	vpop (xrf0)  }
0x91: {  	(v2sf) =	vpush v12, $0xF;
	_ =	sdelay $0xe  }
0x92: {  	s12 =	spop (v2sf)  }
0x93: {  	p0 =	sgt.f32 s12, $0.0e+00  }
.Ltmp7:
0x94: {  	_ = 	snop;
	(pc) =	sbr.rel @p0 .LBB2_19-.Ltmp7, $1  }
0x95: {  	_ =	sdelay $0x3  }
.LBB2_7:
0x96: {  	vm3 =	vlt.f32 v8, v13  }
0x97: {  	v9 =	vsel vm3, $0x3F800000, v1  }
0x98: {  	(xrf0) =	vmax.scan.msk.f32 $0xffff, v9;
	_ =	sdelay $0x5  }
0x99: {  	v9, _, _ =	vpop (xrf0)  }
0x9a: {  	(v2sf) =	vpush v9, $0xF;
	_ =	sdelay $0xe  }
0x9b: {  	s12 =	spop (v2sf)  }
0x9c: {  	p0 =	sgt.f32 s12, $0.0e+00  }
.Ltmp8:
0x9d: {  	_ = 	snop;
	(pc) =	sbr.rel @!p0 .LBB2_8-.Ltmp8, $1  }
0x9e: {  	_ =	sdelay $0x3  }
.LBB2_20:
0x9f: {  	[tilespmem:v6+s31+$0x0] =	vst.idx.msk vm2, v8  }
0xa0: {  	v9 =	vld.idx.msk [tilespmem:v6+s31+$0x0], $0xffff;
	_ =	sdelay $0x4  }
0xa1: {  	vm3 =	vlt.f32 v8, v9  }
0xa2: {  	vm2 =	vmand vm2, vm3  }
0xa3: {  	v9 =	vsel vm2, $0x3F800000, v1  }
0xa4: {  	(xrf0) =	vmax.scan.msk.f32 $0xffff, v9;
	_ =	sdelay $0x5  }
0xa5: {  	v9, _, _ =	vpop (xrf0)  }
0xa6: {  	(v2sf) =	vpush v9, $0xF;
	_ =	sdelay $0xe  }
0xa7: {  	s12 =	spop (v2sf)  }
0xa8: {  	p0 =	sgt.f32 s12, $0.0e+00  }
.Ltmp9:
0xa9: {  	_ = 	snop;
	(pc) =	sbr.rel @p0 .LBB2_20-.Ltmp9, $1  }
0xaa: {  	_ =	sdelay $0x3  }
.LBB2_8:
0xab: {  	vm2 =	vlt.f32 v5, v10  }
0xac: {  	v6 =	vsel vm2, $0x3F800000, v1  }
0xad: {  	(xrf0) =	vmax.scan.msk.f32 $0xffff, v6;
	_ =	sdelay $0x5  }
0xae: {  	v6, _, _ =	vpop (xrf0)  }
0xaf: {  	(v2sf) =	vpush v6, $0xF;
	_ =	sdelay $0xe  }
0xb0: {  	s12 =	spop (v2sf)  }
0xb1: {  	p0 =	sgt.f32 s12, $0.0e+00  }
.Ltmp10:
0xb2: {  	_ = 	snop;
	(pc) =	sbr.rel @!p0 .LBB2_9-.Ltmp10, $1  }
0xb3: {  	_ =	sdelay $0x3  }
.LBB2_21:
0xb4: {  	[tilespmem:v4+s4+$0x0] =	vst.idx.msk vm1, v5  }
0xb5: {  	v6 =	vld.idx.msk [tilespmem:v4+s4+$0x0], $0xffff;
	_ =	sdelay $0x4  }
0xb6: {  	vm2 =	vlt.f32 v5, v6  }
0xb7: {  	vm1 =	vmand vm1, vm2  }
0xb8: {  	v6 =	vsel vm1, $0x3F800000, v1  }
0xb9: {  	(xrf0) =	vmax.scan.msk.f32 $0xffff, v6;
	_ =	sdelay $0x5  }
0xba: {  	v6, _, _ =	vpop (xrf0)  }
0xbb: {  	(v2sf) =	vpush v6, $0xF;
	_ =	sdelay $0xe  }
0xbc: {  	s12 =	spop (v2sf)  }
0xbd: {  	p0 =	sgt.f32 s12, $0.0e+00  }
.Ltmp11:
0xbe: {  	_ = 	snop;
	(pc) =	sbr.rel @p0 .LBB2_21-.Ltmp11, $1  }
0xbf: {  	_ =	sdelay $0x3  }
.LBB2_9:
0xc0: {  	vm1 =	vlt.f32 v3, v7  }
0xc1: {  	v4 =	vsel vm1, $0x3F800000, v1  }
0xc2: {  	(xrf0) =	vmax.scan.msk.f32 $0xffff, v4;
	_ =	sdelay $0x5  }
0xc3: {  	v4, _, _ =	vpop (xrf0)  }
0xc4: {  	(v2sf) =	vpush v4, $0xF;
	_ =	sdelay $0xe  }
0xc5: {  	s12 =	spop (v2sf)  }
0xc6: {  	p0 =	sgt.f32 s12, $0.0e+00  }
.Ltmp12:
0xc7: {  	_ = 	snop;
	(pc) =	sbr.rel @!p0 .LBB2_11-.Ltmp12, $1  }
0xc8: {  	_ =	sdelay $0x3  }
.LBB2_10:
0xc9: {  	[tilespmem:v2+s5+$0x0] =	vst.idx.msk vm0, v3  }
0xca: {  	v4 =	vld.idx.msk [tilespmem:v2+s5+$0x0], $0xffff;
	_ =	sdelay $0x4  }
0xcb: {  	vm1 =	vlt.f32 v3, v4  }
0xcc: {  	vm0 =	vmand vm0, vm1  }
0xcd: {  	v4 =	vsel vm0, $0x3F800000, v1  }
0xce: {  	(xrf0) =	vmax.scan.msk.f32 $0xffff, v4;
	_ =	sdelay $0x5  }
0xcf: {  	v4, _, _ =	vpop (xrf0)  }
0xd0: {  	(v2sf) =	vpush v4, $0xF;
	_ =	sdelay $0xe  }
0xd1: {  	s12 =	spop (v2sf)  }
0xd2: {  	p0 =	sgt.f32 s12, $0.0e+00  }
.Ltmp13:
0xd3: {  	_ = 	snop;
	(pc) =	sbr.rel @p0 .LBB2_10-.Ltmp13, $1  }
0xd4: {  	_ =	sdelay $0x3  }
.Ltmp14:
0xd5: {  	_ = 	snop;
	(pc) =	sbr.rel .LBB2_11-.Ltmp14, $1  }
0xd6: {  	_ =	sdelay $0x3  }
.LBB2_12:
0xd7: {  	s11 =	simm.s32 $0x0  }
0xd8: {  	v2 =	vld [tilespmem:s11+$0x4F00]  }
0xd9: {  	v5 =	vld [tilespmem:s11+$0x7700]  }
0xda: {  	v3 =	vld [tilespmem:s11+$0x9F00]  }
0xdb: {  	v4 =	vld [tilespmem:s11+$0xC700]  }
0xdc: {  	s12 =	simm.s32 $0x40;
	v6 =	vld [tilespmem:s11+$0xEF00]  }
.LBB2_13:
0xdd: {  	s13 =	sshra.s32 s12, $0x2;
	p0 =	sne.s32 s12, $0x9FC0  }
.Ltmp15:
0xde: {  	s12 =	sadd.s32 $0x40, s12;
	v7 =	vmin.f32 v2, v5;
	v2 =	vld [tilespmem:s13+$0x4F00];
	(pc) =	sbr.rel @p0 .LBB2_13-.Ltmp15, $4  }
0xdf: {  	v5 =	vld [tilespmem:s13+$0x7700];
	v7 =	vmin.f32 v7, v3  }
0xe0: {  	v3 =	vld [tilespmem:s13+$0x9F00];
	v7 =	vmin.f32 v7, v4  }
0xe1: {  	v4 =	vld [tilespmem:s13+$0xC700];
	v7 =	vmin.f32 v7, v6  }
0xe2: {  	v6 =	vld [tilespmem:s13+$0xEF00];
	[tilespmem:s11+$0x11700] =	vst v7;
	s11 =	smov.u32 s13  }
0xe3: {  	_ = 	snop  }
0xe4: {  	v2 =	vmin.f32 v2, v5  }
0xe5: {  	v2 =	vmin.f32 v2, v3  }
0xe6: {  	v2 =	vmin.f32 v2, v4  }
0xe7: {  	v2 =	vmin.f32 v2, v6  }
0xe8: {  	s14 =	rddreg [dreg:$0x7];
	s12 =	simm.s32 $0x11700;
	[tilespmem:s11+$0x11700] =	vst v2  }
0xe9: {  	[spmem:s14] =	stream.strided.scatter [tilespmem:s12], [sflag:$0x3], $0x2800, s7, s6, $0x38;
	[tilespmem:$0x16700] =	vst v63  }
0xea: {  	_ =	swait.ge [sflag:s8], $0x2800  }
0xeb: {  	[sflag:s8] =	ssyncset.done $0x0  }
0xec: {  	[sflag:s8] =	ssyncadd.s32 $0xFFFFD800  }
0xed: {  	s11 =	simm.s32 $0x4F00;
	[bflag:$0x0] =	sbarrier.arrive $0xFFFF  }
0xee: {  	[tilespmem:s11], [sflag:$0x1] =	stream.strided.gather [spmem:s9], $0x280, s7, s6, $0x38;
	[tilespmem:$0x16700] =	vst v63  }
0xef: {  	s13 =	simm.s32 $0x5180;
	s15 =	rddreg [dreg:$0x8]  }
0xf0: {  	[tilespmem:s13], [sflag:$0x1] =	stream.strided.gather [spmem:s15], $0x280, s7, s6, $0x38;
	[tilespmem:$0x16700] =	vst v63  }
0xf1: {  	s14 =	rddreg [dreg:$0x9];
	s15 =	simm.s32 $0x5400  }
0xf2: {  	[tilespmem:s15], [sflag:$0x1] =	stream.strided.gather [spmem:s14], $0x280, s7, s6, $0x38;
	[tilespmem:$0x16700] =	vst v63  }
0xf3: {  	s14 =	rddreg [dreg:$0xa];
	s15 =	simm.s32 $0x5680  }
0xf4: {  	[tilespmem:s15], [sflag:$0x1] =	stream.strided.gather [spmem:s14], $0x280, s7, s6, $0x38;
	[tilespmem:$0x16700] =	vst v63  }
0xf5: {  	s14 =	rddreg [dreg:$0xb];
	s15 =	simm.s32 $0x5900  }
0xf6: {  	[tilespmem:s15], [sflag:$0x1] =	stream.strided.gather [spmem:s14], $0x280, s7, s6, $0x38;
	[tilespmem:$0x16700] =	vst v63  }
0xf7: {  	s14 =	rddreg [dreg:$0xc];
	s15 =	simm.s32 $0x5B80  }
0xf8: {  	[tilespmem:s15], [sflag:$0x1] =	stream.strided.gather [spmem:s14], $0x280, s7, s6, $0x38;
	[tilespmem:$0x16700] =	vst v63  }
0xf9: {  	s14 =	rddreg [dreg:$0xd];
	s15 =	simm.s32 $0x5E00  }
0xfa: {  	[tilespmem:s15], [sflag:$0x1] =	stream.strided.gather [spmem:s14], $0x280, s7, s6, $0x38;
	[tilespmem:$0x16700] =	vst v63  }
0xfb: {  	s13 =	simm.s32 $0x6080  }
0xfc: {  	[tilespmem:s13], [sflag:$0x1] =	stream.strided.gather [spmem:s16], $0x280, s7, s6, $0x38;
	[tilespmem:$0x16700] =	vst v63  }
0xfd: {  	s14 =	simm.s32 $0x6300  }
0xfe: {  	[tilespmem:s14], [sflag:$0x1] =	stream.strided.gather [spmem:s17], $0x280, s7, s6, $0x38;
	[tilespmem:$0x16700] =	vst v63  }
0xff: {  	s15 =	simm.s32 $0x6580  }
0x100: {  	[tilespmem:s15], [sflag:$0x1] =	stream.strided.gather [spmem:s18], $0x280, s7, s6, $0x38;
	[tilespmem:$0x16700] =	vst v63  }
0x101: {  	s13 =	simm.s32 $0x6800  }
0x102: {  	[tilespmem:s13], [sflag:$0x1] =	stream.strided.gather [spmem:s19], $0x280, s7, s6, $0x38;
	[tilespmem:$0x16700] =	vst v63  }
0x103: {  	s14 =	simm.s32 $0x6A80  }
0x104: {  	[tilespmem:s14], [sflag:$0x1] =	stream.strided.gather [spmem:s20], $0x280, s7, s6, $0x38;
	[tilespmem:$0x16700] =	vst v63  }
0x105: {  	s15 =	simm.s32 $0x6D00  }
0x106: {  	[tilespmem:s15], [sflag:$0x1] =	stream.strided.gather [spmem:s21], $0x280, s7, s6, $0x38;
	[tilespmem:$0x16700] =	vst v63  }
0x107: {  	s13 =	simm.s32 $0x6F80  }
0x108: {  	[tilespmem:s13], [sflag:$0x1] =	stream.strided.gather [spmem:s22], $0x280, s7, s6, $0x38;
	[tilespmem:$0x16700] =	vst v63  }
0x109: {  	s14 =	simm.s32 $0x7200  }
0x10a: {  	[tilespmem:s14], [sflag:$0x1] =	stream.strided.gather [spmem:s23], $0x280, s7, s6, $0x38;
	[tilespmem:$0x16700] =	vst v63  }
0x10b: {  	s15 =	simm.s32 $0x7480  }
0x10c: {  	[tilespmem:s15], [sflag:$0x1] =	stream.strided.gather [spmem:s26], $0x280, s7, s6, $0x38;
	[tilespmem:$0x16700] =	vst v63  }
0x10d: {  	_ =	swait.ge [sflag:s1], $0x280  }
0x10e: {  	[sflag:s1] =	ssyncset.done $0x0  }
0x10f: {  	[sflag:s1] =	ssyncadd.s32 $0xFFFFFD80  }
0x110: {  	_ =	swait.ge [sflag:s1], $0x280  }
0x111: {  	[sflag:s1] =	ssyncset.done $0x0  }
0x112: {  	[sflag:s1] =	ssyncadd.s32 $0xFFFFFD80  }
0x113: {  	_ =	swait.ge [sflag:s1], $0x280  }
0x114: {  	[sflag:s1] =	ssyncset.done $0x0  }
0x115: {  	[sflag:s1] =	ssyncadd.s32 $0xFFFFFD80  }
0x116: {  	_ =	swait.ge [sflag:s1], $0x280  }
0x117: {  	[sflag:s1] =	ssyncset.done $0x0  }
0x118: {  	[sflag:s1] =	ssyncadd.s32 $0xFFFFFD80  }
0x119: {  	_ =	swait.ge [sflag:s1], $0x280  }
0x11a: {  	[sflag:s1] =	ssyncset.done $0x0  }
0x11b: {  	[sflag:s1] =	ssyncadd.s32 $0xFFFFFD80  }
0x11c: {  	_ =	swait.ge [sflag:s1], $0x280  }
0x11d: {  	[sflag:s1] =	ssyncset.done $0x0  }
0x11e: {  	[sflag:s1] =	ssyncadd.s32 $0xFFFFFD80  }
0x11f: {  	_ =	swait.ge [sflag:s1], $0x280  }
0x120: {  	[sflag:s1] =	ssyncset.done $0x0  }
0x121: {  	[sflag:s1] =	ssyncadd.s32 $0xFFFFFD80  }
0x122: {  	_ =	swait.ge [sflag:s1], $0x280  }
0x123: {  	[sflag:s1] =	ssyncset.done $0x0  }
0x124: {  	[sflag:s1] =	ssyncadd.s32 $0xFFFFFD80  }
0x125: {  	_ =	swait.ge [sflag:s1], $0x280  }
0x126: {  	[sflag:s1] =	ssyncset.done $0x0  }
0x127: {  	[sflag:s1] =	ssyncadd.s32 $0xFFFFFD80  }
0x128: {  	_ =	swait.ge [sflag:s1], $0x280  }
0x129: {  	[sflag:s1] =	ssyncset.done $0x0  }
0x12a: {  	[sflag:s1] =	ssyncadd.s32 $0xFFFFFD80  }
0x12b: {  	_ =	swait.ge [sflag:s1], $0x280  }
0x12c: {  	[sflag:s1] =	ssyncset.done $0x0  }
0x12d: {  	[sflag:s1] =	ssyncadd.s32 $0xFFFFFD80  }
0x12e: {  	_ =	swait.ge [sflag:s1], $0x280  }
0x12f: {  	[sflag:s1] =	ssyncset.done $0x0  }
0x130: {  	[sflag:s1] =	ssyncadd.s32 $0xFFFFFD80  }
0x131: {  	_ =	swait.ge [sflag:s1], $0x280  }
0x132: {  	[sflag:s1] =	ssyncset.done $0x0  }
0x133: {  	[sflag:s1] =	ssyncadd.s32 $0xFFFFFD80  }
0x134: {  	_ =	swait.ge [sflag:s1], $0x280  }
0x135: {  	[sflag:s1] =	ssyncset.done $0x0  }
0x136: {  	[sflag:s1] =	ssyncadd.s32 $0xFFFFFD80  }
0x137: {  	_ =	swait.ge [sflag:s1], $0x280  }
0x138: {  	[sflag:s1] =	ssyncset.done $0x0  }
0x139: {  	[sflag:s1] =	ssyncadd.s32 $0xFFFFFD80  }
0x13a: {  	_ =	swait.ge [sflag:s1], $0x280  }
0x13b: {  	s12 =	simm.s32 $0x0;
	[sflag:s1] =	ssyncset.done $0x0  }
0x13c: {  	s13 =	sand.u32 $0x3F0, s12;
	[sflag:s1] =	ssyncadd.s32 $0xFFFFFD80  }
0x13d: {  	s14 =	simm.s32 $0x10;
	v2 =	vld [tilespmem:s13+$0x5180]  }
.LBB2_15:
0x13e: {  	p0 =	sne.s32 s14, $0x270;
	v3 =	vld [tilespmem:s11+$0x0]  }
0x13f: {  	v4 =	vld [tilespmem:s13+$0x5400]  }
0x140: {  	v5 =	vld [tilespmem:s13+$0x5680]  }
0x141: {  	v6 =	vld [tilespmem:s13+$0x5900]  }
0x142: {  	v7 =	vld [tilespmem:s13+$0x5B80]  }
0x143: {  	v2 =	vmin.f32 v3, v2;
	v3 =	vld [tilespmem:s13+$0x5E00]  }
0x144: {  	v2 =	vmin.f32 v2, v4;
	v4 =	vld [tilespmem:s13+$0x6080]  }
0x145: {  	v2 =	vmin.f32 v2, v5;
	v5 =	vld [tilespmem:s13+$0x6300]  }
0x146: {  	v2 =	vmin.f32 v2, v6;
	v6 =	vld [tilespmem:s13+$0x6580]  }
0x147: {  	v2 =	vmin.f32 v2, v7;
	v7 =	vld [tilespmem:s13+$0x6800]  }
0x148: {  	v2 =	vmin.f32 v2, v3;
	v3 =	vld [tilespmem:s13+$0x6A80]  }
0x149: {  	v2 =	vmin.f32 v2, v4;
	v4 =	vld [tilespmem:s13+$0x6D00]  }
0x14a: {  	v2 =	vmin.f32 v2, v5;
	v5 =	vld [tilespmem:s13+$0x6F80]  }
0x14b: {  	v2 =	vmin.f32 v2, v6;
	v6 =	vld [tilespmem:s13+$0x7200]  }
0x14c: {  	v2 =	vmin.f32 v2, v7;
	v7 =	vld [tilespmem:s13+$0x7480]  }
0x14d: {  	v2 =	vmin.f32 v2, v3  }
0x14e: {  	v2 =	vmin.f32 v2, v4  }
.Ltmp16:
0x14f: {  	s13 =	sadd.s32 s12, s3;
	v2 =	vmin.f32 v2, v5;
	(pc) =	sbr.rel @p0 .LBB2_15-.Ltmp16, $4  }
0x150: {  	s15 =	sand.u32 $0x70, s12;
	s12 =	smov.u32 s14;
	s13 =	sand.u32 $0x7F80, s13;
	v2 =	vmin.f32 v2, v6  }
0x151: {  	s15 =	sor.u32 s15, s13;
	v2 =	vmin.f32 v2, v7  }
0x152: {  	s13 =	sand.u32 $0x3F0, s14;
	[tilespmem:s15+$0x7700] =	vst v2  }
0x153: {  	s11 =	sadd.s32 $0x10, s11;
	s14 =	sadd.s32 $0x10, s14;
	v2 =	vld [tilespmem:s13+$0x5180]  }
0x154: {  	v3 =	vld [tilespmem:s11+$0x0]  }
0x155: {  	v4 =	vld [tilespmem:s13+$0x5400]  }
0x156: {  	v5 =	vld [tilespmem:s13+$0x5680]  }
0x157: {  	v6 =	vld [tilespmem:s13+$0x5900]  }
0x158: {  	v7 =	vld [tilespmem:s13+$0x5B80]  }
0x159: {  	v2 =	vmin.f32 v3, v2;
	v3 =	vld [tilespmem:s13+$0x5E00]  }
0x15a: {  	v56 =	vld [tilespmem:s13+$0x6080];
	v2 =	vmin.f32 v2, v4  }
0x15b: {  	v57 =	vld [tilespmem:s13+$0x6300];
	v2 =	vmin.f32 v2, v5  }
0x15c: {  	v58 =	vld [tilespmem:s13+$0x6580];
	v2 =	vmin.f32 v2, v6  }
0x15d: {  	v59 =	vld [tilespmem:s13+$0x6800];
	v2 =	vmin.f32 v2, v7  }
0x15e: {  	v2 =	vmin.f32 v2, v3;
	v3 =	vld [tilespmem:s13+$0x6A80]  }
0x15f: {  	v60 =	vld [tilespmem:s13+$0x6D00];
	v2 =	vmin.f32 v2, v56  }
0x160: {  	v61 =	vld [tilespmem:s13+$0x6F80];
	v2 =	vmin.f32 v2, v57  }
0x161: {  	v62 =	vld [tilespmem:s13+$0x7200];
	v2 =	vmin.f32 v2, v58  }
0x162: {  	v63 =	vld [tilespmem:s13+$0x7480];
	v2 =	vmin.f32 v2, v59  }
0x163: {  	v2 =	vmin.f32 v2, v3  }
0x164: {  	v2 =	vmin.f32 v2, v60  }
0x165: {  	s14 =	sadd.s32 s12, s3;
	v2 =	vmin.f32 v2, v61  }
0x166: {  	s15 =	sand.u32 $0x70, s12;
	s10 =	sadd.s32 $0x1, s10;
	s11 =	sand.u32 $0x7F80, s14;
	v2 =	vmin.f32 v2, v62  }
0x167: {  	p0 =	sne.s32 s10, s25;
	s11 =	sor.u32 s15, s11;
	v2 =	vmin.f32 v2, v63  }
.Ltmp17:
0x168: {  	[tilespmem:s11+$0x7700] =	vst v2;
	(pc) =	sbr.rel @p0 .LBB2_1-.Ltmp17, $4  }
0x169: {  	[hbm4b:s24+s2] =	stream.linear.scatter [tilespmem:s28], [sflag:$0x3], $0x280, $0x38;
	[tilespmem:$0x16700] =	vst v63  }
0x16a: {  	_ =	swait.ge [sflag:s8], $0x280  }
0x16b: {  	[sflag:s8] =	ssyncset.done $0x0  }
0x16c: {  	[sflag:s8] =	ssyncadd.s32 $0xFFFFFD80  }
0x16d: {  	_ =	sfence.sel $0x180000  }
0x16e: {  	[bflag:$0x0] =	sbarrier.arrive $0xFFFF  }
0x16f: {  	_ =	strace $0x90000047  }
0x170: {  	s0 =	stileid.u32;
	[bflag:$0x2] =	sbarrier.arrive $0xFFFF  }
0x171: {  	p0 =	sne.s32 s0, $0x0;
	s0 =	rddreg [dreg:$0x2]  }
0x172: {  	s0 =	sadd.s32 @!p0 $0x100000, s0  }
0x173: {  	[sflag:s0] =	ssyncadd.tile.s32 @!p0 $0x1;
	_ =	shalt  }
.Lfunc_end2:
_tile_overlayer_lowered:
.L_overlay_start_2:
0x174: {  	(tag) =	ssettag $0x2  }
0x175: {  	s0 =	rddreg [dreg:$0x0];
	s2 =	stileid.u32  }
0x176: {  	s1 =	rddreg [dreg:$0x1];
	p0 =	sne.s32 s2, $0x0  }
0x177: {  	s3 =	rddreg [dreg:$0x2];
	[bflag:$0x3] =	sbarrier.arrive $0xFFFF;
	s2 =	simm.s32 @!p0 $0x1C03  }
0x178: {  	[timem:s3], [sflag:s2] =	dma.local @!p0 [hbm:s0], s1  }
0x179: {  	s0 =	simm.s32 @!p0 $0x3  }
0x17a: {  	_ =	swait.ge @!p0 [sflag:s0], s1  }
0x17b: {  	s1 =	ssub.s32 @!p0 $0x0, s1;
	[sflag:s0] =	ssyncset.done @!p0 $0x0  }
0x17c: {  	[sflag:s0] =	ssyncadd.s32 @!p0 s1  }
0x17d: {  	[bflag:$0x3] =	sbarrier.arrive $0xFFFF  }
0x17e: {  	_ =	shalt  }

// kernel: _segmin_edge_update.8.cloned.1.call-start
scs
__scs_entry_jumppad:
0x0: {  	(pc) =	sbr.rel $0x88, $3  }
0x1: {  	(tag) =	ssettag $0x0;
	lr =	simm.s32 $0x1  }
0x2: {  	[smem:$0x3F9F] =	sst lr;
	_ =	strace $0xD0000000  }
0x3: {  	_ = 	snop  }
0x4: {  	_ = 	snop  }
0x5: {  	_ = 	snop  }
0x6: {  	_ = 	snop  }
0x7: {  	_ = 	snop  }
__scs_overlays_trampoline_lowered:
0x8: {  	[smem:$0x3FAE] =	sst s0  }
0x9: {  	[smem:$0x3FAF] =	sst s1  }
0xa: {  	[smem:$0x3FB0] =	sst s2  }
0xb: {  	[smem:$0x3FB1] =	sst s3  }
0xc: {  	[smem:$0x3FB2] =	sst s4  }
0xd: {  	[smem:$0x3FB3] =	sst s5  }
0xe: {  	[smem:$0x3FB4] =	sst s6  }
0xf: {  	[smem:$0x3FB5] =	sst s7  }
0x10: {  	[smem:$0x3FB6] =	sst s8  }
0x11: {  	[smem:$0x3FB7] =	sst s9;
	s0 =	simm.s32 @!p0 $0x0  }
0x12: {  	s1 =	sld [smem:$0x3F9D];
	s0 =	simm.s32 @p0 $0x1  }
0x13: {  	[smem:$0x3FB8] =	sst s0;
	s0 =	simm.s32 @!p1 $0x0  }
0x14: {  	s2 =	sld [smem:$0x3F9C];
	s0 =	simm.s32 @p1 $0x1  }
0x15: {  	[smem:$0x3FB9] =	sst s0;
	s0 =	simm.s32 @!p2 $0x0  }
0x16: {  	s3 =	sld [smem:$0x3FDB];
	s0 =	simm.s32 @p2 $0x1  }
0x17: {  	s4 =	simm.s32 $0x1BF5;
	[smem:$0x3FBB] =	sst s0  }
0x18: {  	s0 =	sld [smem:$0x3F9E];
	_ =	swait.ge [sflag:s4], $0x0  }
0x19: {  	s7 =	sld [smem:$0x3F9F]  }
0x1a: {  	s8 =	sadd.s32 $0xFFFFE003, lr  }
0x1b: {  	s9 =	sadd.s32 $0xFFFFFEF7, lr;
	s5 =	simm.s32 $0xFFFFFFFF;
	p2 =	slt.u32 s8, $0xFFFFF086  }
0x1c: {  	p1 =	slt.u32 s9, $0xF7A;
	s5 =	simm.s32 @!p2 $0x0  }
0x1d: {  	s5 =	simm.s32 @p1 $0x1;
	p0 =	seq.s32 s7, s2  }
0x1e: {  	s7 =	smul.u32 @!p0 $0xF7A, s2;
	p2 =	seq.s32 @!p0 s5, $0x0  }
0x1f: {  	s9 =	smul.u32 $0xF7A, s1;
	s8 =	simm.s32 @!p0 $0x1BF5;
	p2 =	por !p2, p0  }
0x20: {  	[sflag:s8] =	ssyncset.s32 @!p0 $0xFFFFF086;
	s6 =	sadd.s32 @!p0 s3, s7;
	s7 =	simm.s32 @!p0 $0x108  }
0x21: {  	s3 =	sadd.s32 s3, s9;
	s6 =	sadd.s32 @!p0 $0x88, s6;
	s7 =	simm.s32 @p2 $0x1082  }
0x22: {  	[simem:s7], [sflag:s8] =	dma.local @!p0 [hbm:s6], $0xF7A  }
0x23: {  	s9 =	sor.u32 $0xD0000000, s2;
	s6 =	simm.s32 $0x108;
	_ =	swait.ge @!p0 [sflag:s8], $0x0  }
0x24: {  	s3 =	sadd.s32 $0x88, s3;
	s6 =	simm.s32 @!p1 $0x1082;
	[sflag:s4] =	ssyncset.s32 $0xFFFFF086  }
0x25: {  	[simem:s6], [sflag:s4] =	dma.local [hbm:s3], $0xF7A  }
0x26: {  	[smem:$0x3F9F] =	sst s1;
	(tag) =	ssettag s2;
	_ =	strace s9  }
0x27: {  	s1 =	sld [smem:$0x3FAF]  }
0x28: {  	s2 =	sld [smem:$0x3FB0]  }
0x29: {  	s4 =	sld [smem:$0x3FB2]  }
0x2a: {  	p0 =	seq.s32 s5, $0x0;
	s5 =	sld [smem:$0x3FB3]  }
0x2b: {  	s6 =	sld [smem:$0x3FB4]  }
0x2c: {  	s7 =	sld [smem:$0x3FB5]  }
0x2d: {  	s3 =	simm.s32 $0x108;
	s8 =	sld [smem:$0x3FB6]  }
0x2e: {  	s3 =	simm.s32 @!p0 $0x1082;
	s9 =	sld [smem:$0x3FB7]  }
0x2f: {  	lr =	sadd.s32 s0, s3;
	s0 =	sld [smem:$0x3FAE]  }
0x30: {  	s3 =	sld [smem:$0x3FB1]  }
0x31: {  	[smem:$0x3FBA] =	sst s10  }
0x32: {  	s10 =	sld [smem:$0x3FB8];
	_ =	sdelay $0x3  }
0x33: {  	p0 =	seq.s32 s10, $0x1;
	s10 =	sld [smem:$0x3FBA];
	_ =	sdelay $0x3  }
0x34: {  	[smem:$0x3FBA] =	sst s10  }
0x35: {  	s10 =	sld [smem:$0x3FB9];
	_ =	sdelay $0x3  }
0x36: {  	p1 =	seq.s32 s10, $0x1;
	s10 =	sld [smem:$0x3FBA];
	_ =	sdelay $0x3  }
0x37: {  	[smem:$0x3FBA] =	sst s10  }
0x38: {  	s10 =	sld [smem:$0x3FBB]  }
0x39: {  	_ = 	snop;
	(pc) =	sbr.ind lr, $3  }
0x3a: {  	_ = 	snop  }
0x3b: {  	_ = 	snop  }
0x3c: {  	p2 =	seq.s32 s10, $0x1;
	s10 =	sld [smem:$0x3FBA]  }
0x3d: {  	_ =	shalt  }
0x3e: {  	_ =	shalt  }
0x3f: {  	_ =	shalt  }
0x40: {  	_ =	shalt  }
0x41: {  	_ =	shalt  }
0x42: {  	_ =	shalt  }
0x43: {  	_ =	shalt  }
0x44: {  	_ =	shalt  }
0x45: {  	_ =	shalt  }
0x46: {  	_ =	shalt  }
0x47: {  	_ =	shalt  }
0x48: {  	_ =	shalt  }
0x49: {  	_ =	shalt  }
0x4a: {  	_ =	shalt  }
0x4b: {  	_ =	shalt  }
0x4c: {  	_ =	shalt  }
0x4d: {  	_ =	shalt  }
0x4e: {  	_ =	shalt  }
0x4f: {  	_ =	shalt  }
0x50: {  	_ =	shalt  }
0x51: {  	_ =	shalt  }
0x52: {  	_ =	shalt  }
0x53: {  	_ =	shalt  }
0x54: {  	_ =	shalt  }
0x55: {  	_ =	shalt  }
0x56: {  	_ =	shalt  }
0x57: {  	_ =	shalt  }
0x58: {  	_ =	shalt  }
0x59: {  	_ =	shalt  }
0x5a: {  	_ =	shalt  }
0x5b: {  	_ =	shalt  }
0x5c: {  	_ =	shalt  }
0x5d: {  	_ =	shalt  }
0x5e: {  	_ =	shalt  }
0x5f: {  	_ =	shalt  }
0x60: {  	_ =	shalt  }
0x61: {  	_ =	shalt  }
0x62: {  	_ =	shalt  }
0x63: {  	_ =	shalt  }
0x64: {  	_ =	shalt  }
0x65: {  	_ =	shalt  }
0x66: {  	_ =	shalt  }
0x67: {  	_ =	shalt  }
0x68: {  	_ =	shalt  }
0x69: {  	_ =	shalt  }
0x6a: {  	_ =	shalt  }
0x6b: {  	_ =	shalt  }
0x6c: {  	_ =	shalt  }
0x6d: {  	_ =	shalt  }
0x6e: {  	_ =	shalt  }
0x6f: {  	_ =	shalt  }
0x70: {  	_ =	shalt  }
0x71: {  	_ =	shalt  }
0x72: {  	_ =	shalt  }
0x73: {  	_ =	shalt  }
0x74: {  	_ =	shalt  }
0x75: {  	_ =	shalt  }
0x76: {  	_ =	shalt  }
0x77: {  	_ =	shalt  }
0x78: {  	_ =	shalt  }
0x79: {  	_ =	shalt  }
0x7a: {  	_ =	shalt  }
0x7b: {  	_ =	shalt  }
0x7c: {  	_ =	shalt  }
0x7d: {  	_ =	shalt  }
0x7e: {  	_ =	shalt  }
0x7f: {  	_ =	shalt  }
0x80: {  	_ =	shalt  }
0x81: {  	_ =	shalt  }
0x82: {  	_ =	shalt  }
0x83: {  	_ =	shalt  }
0x84: {  	_ =	shalt  }
0x85: {  	_ =	shalt  }
0x86: {  	_ =	shalt  }
0x87: {  	_ =	shalt  }
.Lfunc_end0:
.L_simem_size_0:
called_computation.1_lowered:
.L_overlay_start_0:
0x88: {  	s2 =	sld [smem:$0x3FD9]  }
0x89: {  	s3 =	sld [smem:$0x3FFE];
	_ =	sdelay $0x1  }
0x8a: {  	s1 =	srdreg.scid  }
0x8b: {  	s0 =	sand.u32 $0x1, s1  }
0x8c: {  	s17 =	sshll.u32 s0, $0xA;
	s2 =	sadd.s32 s3, s2  }
0x8d: {  	s2 =	sadd.s32 s2, s17  }
0x8e: {  	[smem:$0x3FC6] =	sst s2  }
0x8f: {  	_ = 	snop  }
0x90: {  	s2 =	sld [smem:$0x3FD0];
	(tm) =	ssettm $0x1  }
0x91: {  	s18 =	sld [smem:$0x3FFB];
	_ =	sdelay $0x3  }
0x92: {  	_ =	strace s18  }
0x93: {  	s3 =	sld [smem:$0x3FFC];
	_ =	sdelay $0x3  }
0x94: {  	_ =	strace s3  }
0x95: {  	s3 =	sld [smem:$0x3FFD];
	_ =	sdelay $0x3  }
0x96: {  	_ =	strace s3  }
0x97: {  	_ =	strace $0x8FFFFFFF  }
0x98: {  	s19 =	sld [smem:$0x3FDB];
	_ =	sdelay $0x1  }
0x99: {  	s4 =	simm.s32 $_scs_section_size  }
0x9a: {  	s5 =	simm.s32 $_size__tile_overlayer_lowered;
	s6 =	simm.s32 $_tile_overlayer_lowered  }
0x9b: {  	s22 =	simm.s32 $0x1BFF;
	s21 =	sshll.u32 s6, $0x1;
	s3 =	sadd.s32 s4, s19  }
0x9c: {  	s7 =	simm.s32 $0x0;
	s20 =	sshll.u32 s5, $0x1;
	s5 =	sadd.s32 s21, s3  }
0x9d: {  	[timem:s7], [sflag:s22] =	dma.local [hbm:s5], s20  }
0x9e: {  	_ =	swait.ge [sflag:s22], s20  }
0x9f: {  	s4 =	ssub.s32 $0x0, s20;
	[sflag:s22] =	ssyncset.done $0x0  }
0xa0: {  	[sflag:s22] =	ssyncadd.s32 s4;
	_ =	sdelay $0x1  }
0xa1: {  	s23 =	simm.s32 $0x1B8B  }
0xa2: {  	_ =	swait.ge [sflag:s23], $0x1  }
0xa3: {  	[sflag:s23] =	ssyncset.done $0x0  }
0xa4: {  	s25 =	simm.s32 $0x1B8E;
	s24 =	sld [smem:$0x3FFE];
	[sflag:s23] =	ssyncadd.s32 $0xFFFFFFFF  }
0xa5: {  	s26 =	simm.s32 $execute0_lowered;
	[smem:$0x3FD2] =	sst s25  }
0xa6: {  	s5 =	sshll.u32 s26, $0x1;
	_ =	strace $0x80000049;
	[dreg:$0x1] =	wrdreg $0xFFFFFFFF  }
0xa7: {  	s28 =	simm.s32 $_size_execute0_lowered;
	s3 =	sadd.s32 s3, s5;
	[dreg:$0x0] =	wrdreg $0x0  }
0xa8: {  	s5 =	sshll.u32 s28, $0x1;
	[dreg:$0x2] =	wrdreg s3  }
0xa9: {  	[dreg:$0x3] =	wrdreg s5  }
0xaa: {  	[dreg:$0x4] =	wrdreg $0xC0  }
0xab: {  	_ =	task [dreg:s7], $0x5FFFF  }
0xac: {  	[dreg:$0x1] =	wrdreg $0xFFFFFFFF  }
0xad: {  	[dreg:$0x0] =	wrdreg $0x60  }
0xae: {  	[dreg:$0x2] =	wrdreg s24  }
0xaf: {  	[dreg:$0x3] =	wrdreg s2  }
0xb0: {  	[dreg:$0x4] =	wrdreg $0x9  }
0xb1: {  	_ =	task.clear_ibuf [dreg:s7], $0x5FFFF;
	_ =	strace $0x90000049  }
0xb2: {  	s29 =	simm.s32 $0x9;
	_ =	strace $0x8000004B  }
0xb3: {  	_ =	swait.ge [sflag:s29], $0x1  }
0xb4: {  	[sflag:s29] =	ssyncadd.s32 $0xFFFFFFFF  }
0xb5: {  	_ =	strace $0x9000004B  }
0xb6: {  	_ =	sfence  }
0xb7: {  	s30 =	sld [smem:$0x0];
	_ =	sdelay $0x2  }
0xb8: {  	s31 =	sshll.u32 s1, $0xD;
	s1 =	sshrl.u32 s1, $0x2  }
0xb9: {  	s3 =	sand.u32 $0x4000, s31;
	s1 =	sadd.s32 s1, s30  }
0xba: {  	s0 =	sor.u32 s3, s0;
	s1 =	sshll.u32 s1, $0x11  }
0xbb: {  	s0 =	sor.u32 s1, s0  }
0xbc: {  	s0 =	sadd.s32 $0x8F2B, s0  }
0xbd: {  	[sflag:s0] =	ssyncadd.remote.s32 $0x1  }
0xbe: {  	_ =	sfence.sel $0xFFFF  }
0xbf: {  	[dreg:$0x0] =	wrdreg $0xFFFFFFFF;
	(pc) =	sbr.abs _section_cstart, $3  }
0xc0: {  	[dreg:$0x1] =	wrdreg $0xFFFFFFFF  }
0xc1: {  	_ =	task.clear_ibuf [dreg:s7], $0x2FFFF;
	_ =	strace $0x9FFFFFFF  }
0xc2: {  	(tm) =	ssettm $0x7FFFFFFF  }
0xc3: {  	_ =	shalt  }
tec
execute0_lowered:
.L_overlay_start_1:
0x0: {  	(tag) =	ssettag $0x1  }
0x1: {  	s0 =	srdreg.scid;
	s4 =	rddreg [dreg:$0x0]  }
0x2: {  	s10 =	rddreg [dreg:$0x1];
	s1 =	stileid.u32;
	s2 =	simm.s32 $0x0  }
0x3: {  	s14 =	simm.s32 $0x63B0;
	s15 =	simm.s32 $0x7780;
	s16 =	simm.s32 $0x8B30  }
0x4: {  	s17 =	simm.s32 $0x1;
	s18 =	simm.s32 $0x2;
	s5 =	sand.u32 $0x1, s0  }
0x5: {  	s19 =	simm.s32 $0x9F00;
	s20 =	simm.s32 $0x3;
	s3 =	sshll.u32 s5, $0x4  }
0x6: {  	s21 =	simm.s32 $0xB2B0;
	s0 =	rddreg [dreg:$0x2];
	s6 =	sor.u32 s1, s3  }
0x7: {  	s22 =	simm.s32 $0x0;
	[smem:$0x7FF] =	sst s2;
	s7 =	smul.u32 $0x1360, s6  }
0x8: {  	s31 =	sadd.s32 $0xA600, s4;
	s5 =	ssub.s32 $0x2, s5;
	s9 =	smul.u32 $0x276, s6  }
0x9: {  	_ =	strace $0x8000004A;
	s3 =	sadd.s32 $0x14400, s4;
	s12 =	sshrl.u32 s5, $0x1  }
0xa: {  	s12 =	ssub.s32 s5, s12;
	s7 =	sshrl.u32 s7, $0x3;
	s8 =	sadd.s32 s9, s4  }
0xb: {  	s5 =	sadd.s32 s31, s9;
	s9 =	sadd.s32 s10, s9;
	s11 =	sadd.s32 s7, s4  }
0xc: {  	s4 =	sadd.s32 $0x14900, s4;
	s13 =	sadd.s32 $0x4EC0, s7;
	s7 =	sadd.s32 $0x5600, s8  }
0xd: {  	s6 =	sadd.s32 s31, s13;
	s8 =	sadd.s32 $0x800, s11;
	s10 =	sadd.s32 s10, s13  }
0xe: {  	s11 =	smax.u32 s12, $0x1;
	s12 =	simm.s32 $0x2800;
	s13 =	simm.s32 $0x5000  }
.LBB2_1:
0xf: {  	[tilespmem:s2], [sflag:$0x1] =	stream.linear.gather [hbm4b:s3+s2], $0x2800, $0x38;
	[tilespmem:$0xC680] =	vst v63  }
0x10: {  	_ = 	snop  }
0x11: {  	[tilespmem:s12], [sflag:$0x1] =	stream.linear.gather [hbm4b:s4+s2], $0x2800, $0x38;
	[tilespmem:$0xC680] =	vst v63  }
0x12: {  	_ = 	snop  }
0x13: {  	[tilespmem:s13], [sflag:$0x2] =	stream.linear.gather [hbm4b:s5+s2], $0x13B0, $0x38;
	[tilespmem:$0xC680] =	vst v63  }
0x14: {  	_ = 	snop  }
0x15: {  	[tilespmem:s14], [sflag:$0x2] =	stream.linear.gather [hbm4b:s6+s2], $0x1360, $0x38;
	[tilespmem:$0xC680] =	vst v63  }
0x16: {  	_ = 	snop  }
0x17: {  	[tilespmem:s15], [sflag:$0x2] =	stream.linear.gather [hbm4b:s7+s2], $0x13B0, $0x38;
	[tilespmem:$0xC680] =	vst v63  }
0x18: {  	_ = 	snop  }
0x19: {  	[tilespmem:s16], [sflag:$0x2] =	stream.linear.gather [hbm4b:s8+s2], $0x1360, $0x38;
	[tilespmem:$0xC680] =	vst v63  }
0x1a: {  	_ =	swait.ge [sflag:s17], $0x2800  }
0x1b: {  	[sflag:s17] =	ssyncset.done $0x0  }
0x1c: {  	[sflag:s17] =	ssyncadd.s32 $0xFFFFD800  }
0x1d: {  	_ =	swait.ge [sflag:s17], $0x2800  }
0x1e: {  	[sflag:s17] =	ssyncset.done $0x0  }
0x1f: {  	[sflag:s17] =	ssyncadd.s32 $0xFFFFD800  }
0x20: {  	_ =	swait.ge [sflag:s18], $0x13B0  }
0x21: {  	[sflag:s18] =	ssyncset.done $0x0  }
0x22: {  	[sflag:s18] =	ssyncadd.s32 $0xFFFFEC50  }
0x23: {  	_ =	swait.ge [sflag:s18], $0x1360  }
0x24: {  	[sflag:s18] =	ssyncset.done $0x0  }
0x25: {  	[sflag:s18] =	ssyncadd.s32 $0xFFFFECA0  }
0x26: {  	_ =	swait.ge [sflag:s18], $0x13B0  }
0x27: {  	[sflag:s18] =	ssyncset.done $0x0  }
0x28: {  	[sflag:s18] =	ssyncadd.s32 $0xFFFFEC50  }
0x29: {  	_ =	swait.ge [sflag:s18], $0x1360  }
0x2a: {  	[sflag:s18] =	ssyncset.done $0x0  }
0x2b: {  	s23 =	simm.s32 $0x0;
	[sflag:s18] =	ssyncadd.s32 $0xFFFFECA0  }
0x2c: {  	v0 =	vld [tilespmem:s23+$0x5040];
	_ =	sdelay $0x2  }
0x2d: {  	v1 =	vld [tilespmem:s23+$0x5030];
	_ =	sdelay $0x1  }
0x2e: {  	v2 =	vld [tilespmem:s23+$0x5000]  }
0x2f: {  	v3 =	vld [tilespmem:s23+$0x5010]  }
0x30: {  	v4 =	vld [tilespmem:s23+$0x5020]  }
0x31: {  	v5 =	vld.idx.msk [tilespmem:v0+s12+$0x0], $0xffff  }
0x32: {  	v0 =	vld.idx.msk [tilespmem:v0+s2+$0x0], $0xffff;
	_ =	sdelay $0x1  }
0x33: {  	v6 =	vld.idx.msk [tilespmem:v1+s2+$0x0], $0xffff  }
0x34: {  	v1 =	vld.idx.msk [tilespmem:v1+s12+$0x0], $0xffff  }
0x35: {  	v7 =	vld.idx.msk [tilespmem:v2+s2+$0x0], $0xffff  }
0x36: {  	v2 =	vld.idx.msk [tilespmem:v2+s12+$0x0], $0xffff;
	v0 =	vmin.f32 v0, v5  }
0x37: {  	v8 =	vld.idx.msk [tilespmem:v3+s12+$0x0], $0xffff;
	(erf) = vrcp.f32 v0  }
0x38: {  	v3 =	vld.idx.msk [tilespmem:v3+s2+$0x0], $0xffff  }
0x39: {  	v5 =	vld.idx.msk [tilespmem:v4+s12+$0x0], $0xffff  }
0x3a: {  	v4 =	vld.idx.msk [tilespmem:v4+s2+$0x0], $0xffff  }
0x3b: {  	v1 =	vmin.f32 v6, v1  }
0x3c: {  	v2 =	vmin.f32 v7, v2;
	(erf) = vrcp.f32 v1  }
0x3d: {  	(erf) = vrcp.f32 v2  }
0x3e: {  	v1 =	vmin.f32 v3, v8  }
0x3f: {  	v9 =	vld [tilespmem:s23+$0x77C0];
	(erf) = vrcp.f32 v1;
	v4 =	vmin.f32 v4, v5  }
0x40: {  	v5 =	vpop (erf);
	(erf) = vrcp.f32 v4  }
0x41: {  	v3 =	vld [tilespmem:s23+$0x77B0]  }
0x42: {  	v2 =	vld [tilespmem:s23+$0x7780]  }
0x43: {  	v0 =	vld [tilespmem:s23+$0x77A0]  }
0x44: {  	s24 =	simm.s32 $0x140;
	v1 =	vld [tilespmem:s23+$0x7790];
	v4 =	vmul.f32 v5, v9  }
.LBB2_2:
0x45: {  	p0 =	sne.s32 s24, $0x9B00;
	v5 =	vpop (erf);
	s25 =	smov.u32 s24;
	s24 =	sadd.s32 $0x140, s24  }
0x46: {  	s25 =	sshra.s32 s25, $0x2;
	v3 =	vmul.f32 v5, v3;
	v10 =	vadd.f32 $-2.500000000e-01, v4;
	v5 =	vpop (erf)  }
0x47: {  	v6 =	vld [tilespmem:s25+$0x5040];
	v2 =	vmul.f32 v5, v2  }
0x48: {  	v5 =	vld [tilespmem:s25+$0x5030];
	v3 =	vadd.f32 $-2.500000000e-01, v3;
	v9 =	vmax.f32 v10, $0.0e+00;
	v7 =	vpop (erf)  }
0x49: {  	v8 =	vld [tilespmem:s25+$0x5000];
	v2 =	vadd.f32 $-2.500000000e-01, v2;
	v1 =	vmul.f32 v7, v1;
	[tilespmem:s23+$0x9F40] =	vst v9;
	v4 =	vpop (erf)  }
0x4a: {  	v7 =	vld [tilespmem:s25+$0x5010];
	v4 =	vmul.f32 v4, v0;
	v0 =	vmax.f32 v3, $0.0e+00  }
0x4b: {  	v3 =	vld [tilespmem:s25+$0x5020];
	v2 =	vmax.f32 v2, $0.0e+00;
	v1 =	vadd.f32 $-2.500000000e-01, v1;
	[tilespmem:s23+$0x9F30] =	vst v0  }
0x4c: {  	v0 =	vld [tilespmem:s25+$0x77A0];
	[tilespmem:s23+$0x9F00] =	vst v2;
	v2 =	vadd.f32 $-2.500000000e-01, v4  }
0x4d: {  	v1 =	vmax.f32 v1, $0.0e+00  }
0x4e: {  	[tilespmem:s23+$0x9F10] =	vst v1;
	v1 =	vmax.f32 v2, $0.0e+00  }
0x4f: {  	[tilespmem:s23+$0x9F20] =	vst v1;
	s23 =	smov.u32 s25  }
0x50: {  	v1 =	vld.idx.msk [tilespmem:v5+s2+$0x0], $0xffff  }
0x51: {  	v2 =	vld.idx.msk [tilespmem:v6+s12+$0x0], $0xffff  }
0x52: {  	v4 =	vld.idx.msk [tilespmem:v5+s12+$0x0], $0xffff  }
0x53: {  	v5 =	vld.idx.msk [tilespmem:v6+s2+$0x0], $0xffff  }
0x54: {  	v6 =	vld.idx.msk [tilespmem:v8+s2+$0x0], $0xffff  }
0x55: {  	v9 =	vld.idx.msk [tilespmem:v3+s12+$0x0], $0xffff  }
0x56: {  	v8 =	vld.idx.msk [tilespmem:v8+s12+$0x0], $0xffff  }
0x57: {  	v10 =	vld.idx.msk [tilespmem:v7+s12+$0x0], $0xffff  }
0x58: {  	v7 =	vld.idx.msk [tilespmem:v7+s2+$0x0], $0xffff  }
0x59: {  	v2 =	vmin.f32 v5, v2;
	v3 =	vld.idx.msk [tilespmem:v3+s2+$0x0], $0xffff  }
0x5a: {  	(erf) = vrcp.f32 v2  }
0x5b: {  	v1 =	vmin.f32 v1, v4  }
0x5c: {  	v2 =	vmin.f32 v6, v8;
	(erf) = vrcp.f32 v1  }
0x5d: {  	(erf) = vrcp.f32 v2  }
0x5e: {  	v1 =	vmin.f32 v7, v10  }
0x5f: {  	v2 =	vmin.f32 v3, v9;
	v4 =	vld [tilespmem:s23+$0x77C0];
	(erf) = vrcp.f32 v1  }
.Ltmp0:
0x60: {  	(erf) = vrcp.f32 v2;
	(pc) =	sbr.rel @p0 .LBB2_2-.Ltmp0, $4  }
0x61: {  	v3 =	vld [tilespmem:s23+$0x77B0]  }
0x62: {  	v2 =	vld [tilespmem:s23+$0x7780]  }
0x63: {  	v5 =	vpop (erf)  }
0x64: {  	v1 =	vld [tilespmem:s23+$0x7790];
	v4 =	vmul.f32 v5, v4  }
0x65: {  	_ = 	snop  }
0x66: {  	v5 =	vpop (erf)  }
0x67: {  	v3 =	vmul.f32 v5, v3;
	v61 =	vpop (erf)  }
0x68: {  	v4 =	vadd.f32 $-2.500000000e-01, v4;
	v2 =	vmul.f32 v61, v2;
	v62 =	vpop (erf)  }
0x69: {  	v3 =	vadd.f32 $-2.500000000e-01, v3;
	v1 =	vmul.f32 v62, v1;
	v63 =	vpop (erf)  }
0x6a: {  	v4 =	vmax.f32 v4, $0.0e+00;
	v2 =	vadd.f32 $-2.500000000e-01, v2;
	v0 =	vmul.f32 v63, v0  }
0x6b: {  	[tilespmem:s23+$0x9F40] =	vst v4;
	v3 =	vmax.f32 v3, $0.0e+00;
	v1 =	vadd.f32 $-2.500000000e-01, v1  }
0x6c: {  	v2 =	vmax.f32 v2, $0.0e+00;
	[tilespmem:s23+$0x9F30] =	vst v3;
	v0 =	vadd.f32 $-2.500000000e-01, v0  }
0x6d: {  	[tilespmem:s23+$0x9F00] =	vst v2;
	v1 =	vmax.f32 v1, $0.0e+00  }
0x6e: {  	[tilespmem:s23+$0x9F10] =	vst v1;
	v0 =	vmax.f32 v0, $0.0e+00  }
0x6f: {  	[tilespmem:s23+$0x9F20] =	vst v0  }
0x70: {  	[hbm4b:s9+s2] =	stream.linear.scatter [tilespmem:s19], [sflag:$0x3], $0x13B0, $0x38;
	[tilespmem:$0xC680] =	vst v63  }
0x71: {  	s22 =	sadd.s32 $0x1, s22;
	_ =	swait.ge [sflag:s20], $0x13B0  }
0x72: {  	p0 =	sne.s32 s22, s11;
	[sflag:s20] =	ssyncset.done $0x0  }
.Ltmp1:
0x73: {  	[sflag:s20] =	ssyncadd.s32 $0xFFFFEC50;
	(pc) =	sbr.rel @p0 .LBB2_1-.Ltmp1, $4  }
0x74: {  	[hbm4b:s10+s2] =	stream.linear.scatter [tilespmem:s21], [sflag:$0x3], $0x1360, $0x38;
	[tilespmem:$0xC680] =	vst v63  }
0x75: {  	_ =	swait.ge [sflag:s20], $0x1360  }
0x76: {  	[sflag:s20] =	ssyncset.done $0x0  }
0x77: {  	[sflag:s20] =	ssyncadd.s32 $0xFFFFECA0  }
0x78: {  	_ =	sfence.sel $0x180000  }
0x79: {  	[bflag:$0x0] =	sbarrier.arrive $0xFFFF  }
0x7a: {  	p0 =	sne.s32 s1, $0x0;
	_ =	strace $0x9000004A  }
0x7b: {  	s0 =	sadd.s32 @!p0 $0x100000, s0;
	[bflag:$0x2] =	sbarrier.arrive $0xFFFF  }
0x7c: {  	[sflag:s0] =	ssyncadd.tile.s32 @!p0 $0x1;
	_ =	shalt  }
.Lfunc_end2:
_tile_overlayer_lowered:
.L_overlay_start_2:
0x7d: {  	(tag) =	ssettag $0x2  }
0x7e: {  	s0 =	rddreg [dreg:$0x0];
	s2 =	stileid.u32  }
0x7f: {  	s1 =	rddreg [dreg:$0x1];
	p0 =	sne.s32 s2, $0x0  }
0x80: {  	s3 =	rddreg [dreg:$0x2];
	[bflag:$0x3] =	sbarrier.arrive $0xFFFF;
	s2 =	simm.s32 @!p0 $0x1C03  }
0x81: {  	[timem:s3], [sflag:s2] =	dma.local @!p0 [hbm:s0], s1  }
0x82: {  	s0 =	simm.s32 @!p0 $0x3  }
0x83: {  	_ =	swait.ge @!p0 [sflag:s0], s1  }
0x84: {  	s1 =	ssub.s32 @!p0 $0x0, s1;
	[sflag:s0] =	ssyncset.done @!p0 $0x0  }
0x85: {  	[sflag:s0] =	ssyncadd.s32 @!p0 s1  }
0x86: {  	[bflag:$0x3] =	sbarrier.arrive $0xFFFF  }
0x87: {  	_ =	shalt  }

</sc_bundles>
